<compile_context>
chip_gen: v7x
topology: tpu7x:2x2x1
jax: 0.10.2.dev20260603
libtpu: 0.0.44.dev20260713+nightly
codegen_flags: <defaults>
</compile_context>

<pallas_src>
import jax
import jax.numpy as jnp
from jax import lax
from jax.experimental import pallas as pl
from jax.experimental.pallas import tpu as pltpu
from jax.experimental.pallas import tpu_sc as plsc

DIM = 32
BATCH = 16384
NUM_CORES = 2
NUM_SUBCORES = 16
NUM_WORKERS = NUM_CORES * NUM_SUBCORES
B_PER_W = BATCH // NUM_WORKERS
IDX_CHUNK = 128
N_CHUNKS = B_PER_W // IDX_CHUNK
N_GROUPS = B_PER_W // 16


def _mf_bias_body(uidx_hbm, iidx_hbm, uemb_hbm, iemb_hbm, ubias_hbm,
                  ibias_hbm, out_hbm, uidx_v, iidx_v, urows_v, irows_v,
                  ub_v, ib_v, out_v, sem):
    wid = lax.axis_index("s") * NUM_CORES + lax.axis_index("c")
    base = wid * B_PER_W

    pltpu.sync_copy(uidx_hbm.at[wid], uidx_v)
    pltpu.sync_copy(iidx_hbm.at[wid], iidx_v)

    copies = []
    for j in range(N_CHUNKS):
        rows = pl.ds(j * IDX_CHUNK, IDX_CHUNK)
        copies.append(pltpu.async_copy(
            uemb_hbm.at[uidx_v.at[j]], urows_v.at[rows], sem))
        copies.append(pltpu.async_copy(
            iemb_hbm.at[iidx_v.at[j]], irows_v.at[rows], sem))
        copies.append(pltpu.async_copy(
            ubias_hbm.at[uidx_v.at[j]], ub_v.at[rows], sem))
        copies.append(pltpu.async_copy(
            ibias_hbm.at[iidx_v.at[j]], ib_v.at[rows], sem))
    for c in copies:
        c.wait()

    iot = lax.iota(jnp.int32, 16)

    def group(g, carry):
        s = pl.ds(g * 16, 16)
        ri = iot + g * 16
        acc = ub_v[s] + ib_v[s]
        for d in range(DIM):
            cd = jnp.full((16,), d, jnp.int32)
            u = plsc.load_gather(urows_v, [ri, cd])
            v = plsc.load_gather(irows_v, [ri, cd])
            acc = acc + u * v
        out_v[s] = acc
        return carry

    lax.fori_loop(0, N_GROUPS, group, 0)

    pltpu.sync_copy(out_v, out_hbm.at[pl.ds(base, B_PER_W)])


@jax.jit
def kernel(user_ids, item_ids, user_embedding, item_embedding, user_bias,
           item_bias):
    uidx = (user_ids - 1).reshape(NUM_WORKERS, N_CHUNKS, IDX_CHUNK)
    iidx = (item_ids - 1).reshape(NUM_WORKERS, N_CHUNKS, IDX_CHUNK)
    ubias = user_bias.reshape(-1)
    ibias = item_bias.reshape(-1)

    mesh = plsc.VectorSubcoreMesh(core_axis_name="c", subcore_axis_name="s")
    run = pl.kernel(
        _mf_bias_body,
        mesh=mesh,
        compiler_params=pltpu.CompilerParams(
            needs_layout_passes=False, use_tc_tiling_on_sc=False),
        out_type=jax.ShapeDtypeStruct((BATCH,), jnp.float32),
        scratch_types=[
            pltpu.VMEM((N_CHUNKS, IDX_CHUNK), jnp.int32),
            pltpu.VMEM((N_CHUNKS, IDX_CHUNK), jnp.int32),
            pltpu.VMEM((B_PER_W, DIM), jnp.float32),
            pltpu.VMEM((B_PER_W, DIM), jnp.float32),
            pltpu.VMEM((B_PER_W,), jnp.float32),
            pltpu.VMEM((B_PER_W,), jnp.float32),
            pltpu.VMEM((B_PER_W,), jnp.float32),
            pltpu.SemaphoreType.DMA,
        ],
    )
    return run(uidx, iidx, user_embedding, item_embedding, ubias, ibias)

# --- scband reference (transcript-rebuilt; emitter-appended) ---
"""Pipeline reference for scband-mf-bias-68375879352449 (READ-ONLY COPY).

The authoritative reference and input builder live on the scoring server;
editing this copy changes nothing except your own understanding.
"""

import jax, jax.numpy as jnp
import numpy as np

USER_NUM = 1000000
ITEM_NUM = 1000000
DIM = 32
BATCH = 16384

def setup_inputs(seed: int = 0) -> dict:
    key = jax.random.key(seed)
    k0, k1, k2, k3 = jax.random.split(key, 4)
    # ids are 1-indexed in the original module (forward subtracts 1)
    user_ids = jax.random.randint(k0, (BATCH,), 1, USER_NUM + 1, dtype=jnp.int32)
    item_ids = jax.random.randint(k1, (BATCH,), 1, ITEM_NUM + 1, dtype=jnp.int32)
    # nn.Embedding default init: N(0, 1)
    user_embedding = jax.random.normal(k2, (USER_NUM, DIM), dtype=jnp.float32)
    item_embedding = jax.random.normal(k3, (ITEM_NUM, DIM), dtype=jnp.float32)
    # bias tables are zero-initialized in the original module
    user_bias = jnp.zeros((USER_NUM, 1), dtype=jnp.float32)
    item_bias = jnp.zeros((ITEM_NUM, 1), dtype=jnp.float32)
    return {
        'user_ids': user_ids,
        'item_ids': item_ids,
        'user_embedding': user_embedding,
        'item_embedding': item_embedding,
        'user_bias': user_bias,
        'item_bias': item_bias,
    }

def reference(user_ids, item_ids, user_embedding, item_embedding, user_bias, item_bias):
    uidx = user_ids - 1
    iidx = item_ids - 1
    user_embed = jnp.take(user_embedding, uidx, axis=0)          # [B, dim]
    item_embed = jnp.take(item_embedding, iidx, axis=0)          # [B, dim]
    ub = jnp.take(user_bias, uidx, axis=0).squeeze()             # [B]
    ib = jnp.take(item_bias, iidx, axis=0).squeeze()             # [B]
    prediction = jnp.sum(user_embed * item_embed, axis=1) + ub + ib
    return prediction

if __name__ == "__main__":
    import jax
    _d = setup_inputs()
    print(jax.jit(kernel)(*tuple(_d.values())))

</pallas_src>

<mosaic_0001>
#map = affine_map<(d0, d1) -> (0, 0, 0)>
#map1 = affine_map<(d0, d1) -> (0, 0)>
#map2 = affine_map<(d0, d1) -> (0)>
module attributes {stable_mosaic.version = 14 : i64} {
  func.func @_mf_bias_body(%arg0: i32, %arg1: i32, %arg2: memref<32x4x128xi32, #tpu.memory_space<hbm>>, %arg3: memref<32x4x128xi32, #tpu.memory_space<hbm>>, %arg4: memref<1000000x32xf32, #tpu.memory_space<hbm>>, %arg5: memref<1000000x32xf32, #tpu.memory_space<hbm>>, %arg6: memref<1000000xf32, #tpu.memory_space<hbm>>, %arg7: memref<1000000xf32, #tpu.memory_space<hbm>>, %arg8: memref<16384xf32, #tpu.memory_space<hbm>>, %arg9: memref<4x128xi32, #tpu.memory_space<vmem>>, %arg10: memref<4x128xi32, #tpu.memory_space<vmem>>, %arg11: memref<512x32xf32, #tpu.memory_space<vmem>>, %arg12: memref<512x32xf32, #tpu.memory_space<vmem>>, %arg13: memref<512xf32, #tpu.memory_space<vmem>>, %arg14: memref<512xf32, #tpu.memory_space<vmem>>, %arg15: memref<512xf32, #tpu.memory_space<vmem>>, %arg16: memref<!tpu.dma_semaphore, #tpu.memory_space<semaphore_mem>>) attributes {dimension_semantics = [#tpu.dimension_semantics<core_parallel>, #tpu.dimension_semantics<subcore_parallel>], iteration_bounds = array<i64: 2, 16>, scalar_prefetch = 0 : i64, scratch_operands = 8 : i64, tpu.core_type = #tpu.core_type<sc_vector_subcore>, window_params = [{transform_indices = #map}, {transform_indices = #map}, {transform_indices = #map1}, {transform_indices = #map1}, {transform_indices = #map2}, {transform_indices = #map2}, {transform_indices = #map2}]} {
    %mul3A = arith.constant 2 : i32
    %mul3A_0 = arith.muli %arg1, %mul3A : i32
    %add3A = arith.addi %mul3A_0, %arg0 : i32
    %mul3A_1 = arith.constant 512 : i32
    %mul3A_2 = arith.muli %add3A, %mul3A_1 : i32
    "tpu.region"() ({
      %run_scoped3A = tpu.sem_alloc : memref<!tpu.dma_semaphore, #tpu.memory_space<semaphore_mem>>
      %dma_start3A_294 = arith.constant 0 : i32
      %dma_start3A_295 = arith.constant 0 : i32
      %dma_start3A_296 = tpu.memref_slice %arg2[%add3A, %dma_start3A_294, %dma_start3A_295] : memref<32x4x128xi32, #tpu.memory_space<hbm>> -> memref<1x4x128xi32, #tpu.memory_space<hbm>>
      %dma_start3A_297 = tpu.memref_squeeze %dma_start3A_296 : memref<1x4x128xi32, #tpu.memory_space<hbm>> -> memref<4x128xi32, #tpu.memory_space<hbm>>
      %dma_start3A_298 = arith.constant 0 : i32
      %dma_start3A_299 = arith.constant 0 : i32
      %dma_start3A_300 = tpu.memref_slice %arg2[%add3A, %dma_start3A_298, %dma_start3A_299] : memref<32x4x128xi32, #tpu.memory_space<hbm>> -> memref<1x4x128xi32, #tpu.memory_space<hbm>>
      %dma_start3A_301 = tpu.memref_squeeze %dma_start3A_300 : memref<1x4x128xi32, #tpu.memory_space<hbm>> -> memref<4x128xi32, #tpu.memory_space<hbm>>
      tpu.enqueue_dma source(%dma_start3A_301 : memref<4x128xi32, #tpu.memory_space<hbm>>) target(%arg9 : memref<4x128xi32, #tpu.memory_space<vmem>>) target_semaphore(%run_scoped3A : memref<!tpu.dma_semaphore, #tpu.memory_space<semaphore_mem>>)
      %dma_wait3A_302 = arith.constant 0 : i32
      %dma_wait3A_303 = arith.constant 0 : i32
      %dma_wait3A_304 = tpu.memref_slice %arg2[%add3A, %dma_wait3A_302, %dma_wait3A_303] : memref<32x4x128xi32, #tpu.memory_space<hbm>> -> memref<1x4x128xi32, #tpu.memory_space<hbm>>
      %dma_wait3A_305 = tpu.memref_squeeze %dma_wait3A_304 : memref<1x4x128xi32, #tpu.memory_space<hbm>> -> memref<4x128xi32, #tpu.memory_space<hbm>>
      %dma_wait3A_306 = arith.constant 0 : i32
      %dma_wait3A_307 = arith.constant 0 : i32
      %dma_wait3A_308 = tpu.memref_slice %arg2[%add3A, %dma_wait3A_306, %dma_wait3A_307] : memref<32x4x128xi32, #tpu.memory_space<hbm>> -> memref<1x4x128xi32, #tpu.memory_space<hbm>>
      %dma_wait3A_309 = tpu.memref_squeeze %dma_wait3A_308 : memref<1x4x128xi32, #tpu.memory_space<hbm>> -> memref<4x128xi32, #tpu.memory_space<hbm>>
      tpu.wait_dma2 semaphore(%run_scoped3A : memref<!tpu.dma_semaphore, #tpu.memory_space<semaphore_mem>>) src(%dma_wait3A_309 : memref<4x128xi32, #tpu.memory_space<hbm>>) dst(%arg9 : memref<4x128xi32, #tpu.memory_space<vmem>>)
      tpu.yield
    }) : () -> ()
    "tpu.region"() ({
      %run_scoped3A = tpu.sem_alloc : memref<!tpu.dma_semaphore, #tpu.memory_space<semaphore_mem>>
      %dma_start3A_294 = arith.constant 0 : i32
      %dma_start3A_295 = arith.constant 0 : i32
      %dma_start3A_296 = tpu.memref_slice %arg3[%add3A, %dma_start3A_294, %dma_start3A_295] : memref<32x4x128xi32, #tpu.memory_space<hbm>> -> memref<1x4x128xi32, #tpu.memory_space<hbm>>
      %dma_start3A_297 = tpu.memref_squeeze %dma_start3A_296 : memref<1x4x128xi32, #tpu.memory_space<hbm>> -> memref<4x128xi32, #tpu.memory_space<hbm>>
      %dma_start3A_298 = arith.constant 0 : i32
      %dma_start3A_299 = arith.constant 0 : i32
      %dma_start3A_300 = tpu.memref_slice %arg3[%add3A, %dma_start3A_298, %dma_start3A_299] : memref<32x4x128xi32, #tpu.memory_space<hbm>> -> memref<1x4x128xi32, #tpu.memory_space<hbm>>
      %dma_start3A_301 = tpu.memref_squeeze %dma_start3A_300 : memref<1x4x128xi32, #tpu.memory_space<hbm>> -> memref<4x128xi32, #tpu.memory_space<hbm>>
      tpu.enqueue_dma source(%dma_start3A_301 : memref<4x128xi32, #tpu.memory_space<hbm>>) target(%arg10 : memref<4x128xi32, #tpu.memory_space<vmem>>) target_semaphore(%run_scoped3A : memref<!tpu.dma_semaphore, #tpu.memory_space<semaphore_mem>>)
      %dma_wait3A_302 = arith.constant 0 : i32
      %dma_wait3A_303 = arith.constant 0 : i32
      %dma_wait3A_304 = tpu.memref_slice %arg3[%add3A, %dma_wait3A_302, %dma_wait3A_303] : memref<32x4x128xi32, #tpu.memory_space<hbm>> -> memref<1x4x128xi32, #tpu.memory_space<hbm>>
      %dma_wait3A_305 = tpu.memref_squeeze %dma_wait3A_304 : memref<1x4x128xi32, #tpu.memory_space<hbm>> -> memref<4x128xi32, #tpu.memory_space<hbm>>
      %dma_wait3A_306 = arith.constant 0 : i32
      %dma_wait3A_307 = arith.constant 0 : i32
      %dma_wait3A_308 = tpu.memref_slice %arg3[%add3A, %dma_wait3A_306, %dma_wait3A_307] : memref<32x4x128xi32, #tpu.memory_space<hbm>> -> memref<1x4x128xi32, #tpu.memory_space<hbm>>
      %dma_wait3A_309 = tpu.memref_squeeze %dma_wait3A_308 : memref<1x4x128xi32, #tpu.memory_space<hbm>> -> memref<4x128xi32, #tpu.memory_space<hbm>>
      tpu.wait_dma2 semaphore(%run_scoped3A : memref<!tpu.dma_semaphore, #tpu.memory_space<semaphore_mem>>) src(%dma_wait3A_309 : memref<4x128xi32, #tpu.memory_space<hbm>>) dst(%arg10 : memref<4x128xi32, #tpu.memory_space<vmem>>)
      tpu.yield
    }) : () -> ()
    %dma_start3A = arith.constant 0 : i32
    %dma_start3A_3 = arith.constant 0 : i32
    %dma_start3A_4 = arith.constant 0 : i32
    %dma_start3A_5 = tpu.memref_slice %arg11[%dma_start3A_3, %dma_start3A_4] : memref<512x32xf32, #tpu.memory_space<vmem>> -> memref<128x32xf32, #tpu.memory_space<vmem>>
    %dma_start3A_6 = arith.constant 0 : i32
    %dma_start3A_7 = tpu.memref_slice %arg9[%dma_start3A, %dma_start3A_6] : memref<4x128xi32, #tpu.memory_space<vmem>> -> memref<1x128xi32, #tpu.memory_space<vmem>>
    %dma_start3A_8 = tpu.memref_squeeze %dma_start3A_7 : memref<1x128xi32, #tpu.memory_space<vmem>> -> memref<128xi32, #tpu.memory_space<vmem>>
    %dma_start3A_9 = arith.constant 0 : i32
    %dma_start3A_10 = arith.constant 0 : i32
    %dma_start3A_11 = tpu.memref_slice %arg4[%dma_start3A_9, %dma_start3A_10] : memref<1000000x32xf32, #tpu.memory_space<hbm>> -> memref<1000000x32xf32, #tpu.memory_space<hbm>>
    tpu.enqueue_indirect_dma source(%dma_start3A_11 : memref<1000000x32xf32, #tpu.memory_space<hbm>>) target(%dma_start3A_5 : memref<128x32xf32, #tpu.memory_space<vmem>>) offsets(%dma_start3A_8 : memref<128xi32, #tpu.memory_space<vmem>>) semaphore(%arg16 : memref<!tpu.dma_semaphore, #tpu.memory_space<semaphore_mem>>)
    %dma_start3A_12 = arith.constant 0 : i32
    %dma_start3A_13 = arith.constant 0 : i32
    %dma_start3A_14 = arith.constant 0 : i32
    %dma_start3A_15 = tpu.memref_slice %arg12[%dma_start3A_13, %dma_start3A_14] : memref<512x32xf32, #tpu.memory_space<vmem>> -> memref<128x32xf32, #tpu.memory_space<vmem>>
    %dma_start3A_16 = arith.constant 0 : i32
    %dma_start3A_17 = tpu.memref_slice %arg10[%dma_start3A_12, %dma_start3A_16] : memref<4x128xi32, #tpu.memory_space<vmem>> -> memref<1x128xi32, #tpu.memory_space<vmem>>
    %dma_start3A_18 = tpu.memref_squeeze %dma_start3A_17 : memref<1x128xi32, #tpu.memory_space<vmem>> -> memref<128xi32, #tpu.memory_space<vmem>>
    %dma_start3A_19 = arith.constant 0 : i32
    %dma_start3A_20 = arith.constant 0 : i32
    %dma_start3A_21 = tpu.memref_slice %arg5[%dma_start3A_19, %dma_start3A_20] : memref<1000000x32xf32, #tpu.memory_space<hbm>> -> memref<1000000x32xf32, #tpu.memory_space<hbm>>
    tpu.enqueue_indirect_dma source(%dma_start3A_21 : memref<1000000x32xf32, #tpu.memory_space<hbm>>) target(%dma_start3A_15 : memref<128x32xf32, #tpu.memory_space<vmem>>) offsets(%dma_start3A_18 : memref<128xi32, #tpu.memory_space<vmem>>) semaphore(%arg16 : memref<!tpu.dma_semaphore, #tpu.memory_space<semaphore_mem>>)
    %dma_start3A_22 = arith.constant 0 : i32
    %dma_start3A_23 = arith.constant 0 : i32
    %dma_start3A_24 = tpu.memref_slice %arg13[%dma_start3A_23] : memref<512xf32, #tpu.memory_space<vmem>> -> memref<128xf32, #tpu.memory_space<vmem>>
    %dma_start3A_25 = arith.constant 0 : i32
    %dma_start3A_26 = tpu.memref_slice %arg9[%dma_start3A_22, %dma_start3A_25] : memref<4x128xi32, #tpu.memory_space<vmem>> -> memref<1x128xi32, #tpu.memory_space<vmem>>
    %dma_start3A_27 = tpu.memref_squeeze %dma_start3A_26 : memref<1x128xi32, #tpu.memory_space<vmem>> -> memref<128xi32, #tpu.memory_space<vmem>>
    %dma_start3A_28 = arith.constant 0 : i32
    %dma_start3A_29 = tpu.memref_slice %arg6[%dma_start3A_28] : memref<1000000xf32, #tpu.memory_space<hbm>> -> memref<1000000xf32, #tpu.memory_space<hbm>>
    tpu.enqueue_indirect_dma source(%dma_start3A_29 : memref<1000000xf32, #tpu.memory_space<hbm>>) target(%dma_start3A_24 : memref<128xf32, #tpu.memory_space<vmem>>) offsets(%dma_start3A_27 : memref<128xi32, #tpu.memory_space<vmem>>) semaphore(%arg16 : memref<!tpu.dma_semaphore, #tpu.memory_space<semaphore_mem>>)
    %dma_start3A_30 = arith.constant 0 : i32
    %dma_start3A_31 = arith.constant 0 : i32
    %dma_start3A_32 = tpu.memref_slice %arg14[%dma_start3A_31] : memref<512xf32, #tpu.memory_space<vmem>> -> memref<128xf32, #tpu.memory_space<vmem>>
    %dma_start3A_33 = arith.constant 0 : i32
    %dma_start3A_34 = tpu.memref_slice %arg10[%dma_start3A_30, %dma_start3A_33] : memref<4x128xi32, #tpu.memory_space<vmem>> -> memref<1x128xi32, #tpu.memory_space<vmem>>
    %dma_start3A_35 = tpu.memref_squeeze %dma_start3A_34 : memref<1x128xi32, #tpu.memory_space<vmem>> -> memref<128xi32, #tpu.memory_space<vmem>>
    %dma_start3A_36 = arith.constant 0 : i32
    %dma_start3A_37 = tpu.memref_slice %arg7[%dma_start3A_36] : memref<1000000xf32, #tpu.memory_space<hbm>> -> memref<1000000xf32, #tpu.memory_space<hbm>>
    tpu.enqueue_indirect_dma source(%dma_start3A_37 : memref<1000000xf32, #tpu.memory_space<hbm>>) target(%dma_start3A_32 : memref<128xf32, #tpu.memory_space<vmem>>) offsets(%dma_start3A_35 : memref<128xi32, #tpu.memory_space<vmem>>) semaphore(%arg16 : memref<!tpu.dma_semaphore, #tpu.memory_space<semaphore_mem>>)
    %dma_start3A_38 = arith.constant 1 : i32
    %dma_start3A_39 = arith.constant 128 : i32
    %dma_start3A_40 = arith.constant 0 : i32
    %dma_start3A_41 = tpu.memref_slice %arg11[%dma_start3A_39, %dma_start3A_40] : memref<512x32xf32, #tpu.memory_space<vmem>> -> memref<128x32xf32, #tpu.memory_space<vmem>>
    %dma_start3A_42 = arith.constant 0 : i32
    %dma_start3A_43 = tpu.memref_slice %arg9[%dma_start3A_38, %dma_start3A_42] : memref<4x128xi32, #tpu.memory_space<vmem>> -> memref<1x128xi32, #tpu.memory_space<vmem>>
    %dma_start3A_44 = tpu.memref_squeeze %dma_start3A_43 : memref<1x128xi32, #tpu.memory_space<vmem>> -> memref<128xi32, #tpu.memory_space<vmem>>
    %dma_start3A_45 = arith.constant 0 : i32
    %dma_start3A_46 = arith.constant 0 : i32
    %dma_start3A_47 = tpu.memref_slice %arg4[%dma_start3A_45, %dma_start3A_46] : memref<1000000x32xf32, #tpu.memory_space<hbm>> -> memref<1000000x32xf32, #tpu.memory_space<hbm>>
    tpu.enqueue_indirect_dma source(%dma_start3A_47 : memref<1000000x32xf32, #tpu.memory_space<hbm>>) target(%dma_start3A_41 : memref<128x32xf32, #tpu.memory_space<vmem>>) offsets(%dma_start3A_44 : memref<128xi32, #tpu.memory_space<vmem>>) semaphore(%arg16 : memref<!tpu.dma_semaphore, #tpu.memory_space<semaphore_mem>>)
    %dma_start3A_48 = arith.constant 1 : i32
    %dma_start3A_49 = arith.constant 128 : i32
    %dma_start3A_50 = arith.constant 0 : i32
    %dma_start3A_51 = tpu.memref_slice %arg12[%dma_start3A_49, %dma_start3A_50] : memref<512x32xf32, #tpu.memory_space<vmem>> -> memref<128x32xf32, #tpu.memory_space<vmem>>
    %dma_start3A_52 = arith.constant 0 : i32
    %dma_start3A_53 = tpu.memref_slice %arg10[%dma_start3A_48, %dma_start3A_52] : memref<4x128xi32, #tpu.memory_space<vmem>> -> memref<1x128xi32, #tpu.memory_space<vmem>>
    %dma_start3A_54 = tpu.memref_squeeze %dma_start3A_53 : memref<1x128xi32, #tpu.memory_space<vmem>> -> memref<128xi32, #tpu.memory_space<vmem>>
    %dma_start3A_55 = arith.constant 0 : i32
    %dma_start3A_56 = arith.constant 0 : i32
    %dma_start3A_57 = tpu.memref_slice %arg5[%dma_start3A_55, %dma_start3A_56] : memref<1000000x32xf32, #tpu.memory_space<hbm>> -> memref<1000000x32xf32, #tpu.memory_space<hbm>>
    tpu.enqueue_indirect_dma source(%dma_start3A_57 : memref<1000000x32xf32, #tpu.memory_space<hbm>>) target(%dma_start3A_51 : memref<128x32xf32, #tpu.memory_space<vmem>>) offsets(%dma_start3A_54 : memref<128xi32, #tpu.memory_space<vmem>>) semaphore(%arg16 : memref<!tpu.dma_semaphore, #tpu.memory_space<semaphore_mem>>)
    %dma_start3A_58 = arith.constant 1 : i32
    %dma_start3A_59 = arith.constant 128 : i32
    %dma_start3A_60 = tpu.memref_slice %arg13[%dma_start3A_59] : memref<512xf32, #tpu.memory_space<vmem>> -> memref<128xf32, #tpu.memory_space<vmem>>
    %dma_start3A_61 = arith.constant 0 : i32
    %dma_start3A_62 = tpu.memref_slice %arg9[%dma_start3A_58, %dma_start3A_61] : memref<4x128xi32, #tpu.memory_space<vmem>> -> memref<1x128xi32, #tpu.memory_space<vmem>>
    %dma_start3A_63 = tpu.memref_squeeze %dma_start3A_62 : memref<1x128xi32, #tpu.memory_space<vmem>> -> memref<128xi32, #tpu.memory_space<vmem>>
    %dma_start3A_64 = arith.constant 0 : i32
    %dma_start3A_65 = tpu.memref_slice %arg6[%dma_start3A_64] : memref<1000000xf32, #tpu.memory_space<hbm>> -> memref<1000000xf32, #tpu.memory_space<hbm>>
    tpu.enqueue_indirect_dma source(%dma_start3A_65 : memref<1000000xf32, #tpu.memory_space<hbm>>) target(%dma_start3A_60 : memref<128xf32, #tpu.memory_space<vmem>>) offsets(%dma_start3A_63 : memref<128xi32, #tpu.memory_space<vmem>>) semaphore(%arg16 : memref<!tpu.dma_semaphore, #tpu.memory_space<semaphore_mem>>)
    %dma_start3A_66 = arith.constant 1 : i32
    %dma_start3A_67 = arith.constant 128 : i32
    %dma_start3A_68 = tpu.memref_slice %arg14[%dma_start3A_67] : memref<512xf32, #tpu.memory_space<vmem>> -> memref<128xf32, #tpu.memory_space<vmem>>
    %dma_start3A_69 = arith.constant 0 : i32
    %dma_start3A_70 = tpu.memref_slice %arg10[%dma_start3A_66, %dma_start3A_69] : memref<4x128xi32, #tpu.memory_space<vmem>> -> memref<1x128xi32, #tpu.memory_space<vmem>>
    %dma_start3A_71 = tpu.memref_squeeze %dma_start3A_70 : memref<1x128xi32, #tpu.memory_space<vmem>> -> memref<128xi32, #tpu.memory_space<vmem>>
    %dma_start3A_72 = arith.constant 0 : i32
    %dma_start3A_73 = tpu.memref_slice %arg7[%dma_start3A_72] : memref<1000000xf32, #tpu.memory_space<hbm>> -> memref<1000000xf32, #tpu.memory_space<hbm>>
    tpu.enqueue_indirect_dma source(%dma_start3A_73 : memref<1000000xf32, #tpu.memory_space<hbm>>) target(%dma_start3A_68 : memref<128xf32, #tpu.memory_space<vmem>>) offsets(%dma_start3A_71 : memref<128xi32, #tpu.memory_space<vmem>>) semaphore(%arg16 : memref<!tpu.dma_semaphore, #tpu.memory_space<semaphore_mem>>)
    %dma_start3A_74 = arith.constant 2 : i32
    %dma_start3A_75 = arith.constant 256 : i32
    %dma_start3A_76 = arith.constant 0 : i32
    %dma_start3A_77 = tpu.memref_slice %arg11[%dma_start3A_75, %dma_start3A_76] : memref<512x32xf32, #tpu.memory_space<vmem>> -> memref<128x32xf32, #tpu.memory_space<vmem>>
    %dma_start3A_78 = arith.constant 0 : i32
    %dma_start3A_79 = tpu.memref_slice %arg9[%dma_start3A_74, %dma_start3A_78] : memref<4x128xi32, #tpu.memory_space<vmem>> -> memref<1x128xi32, #tpu.memory_space<vmem>>
    %dma_start3A_80 = tpu.memref_squeeze %dma_start3A_79 : memref<1x128xi32, #tpu.memory_space<vmem>> -> memref<128xi32, #tpu.memory_space<vmem>>
    %dma_start3A_81 = arith.constant 0 : i32
    %dma_start3A_82 = arith.constant 0 : i32
    %dma_start3A_83 = tpu.memref_slice %arg4[%dma_start3A_81, %dma_start3A_82] : memref<1000000x32xf32, #tpu.memory_space<hbm>> -> memref<1000000x32xf32, #tpu.memory_space<hbm>>
    tpu.enqueue_indirect_dma source(%dma_start3A_83 : memref<1000000x32xf32, #tpu.memory_space<hbm>>) target(%dma_start3A_77 : memref<128x32xf32, #tpu.memory_space<vmem>>) offsets(%dma_start3A_80 : memref<128xi32, #tpu.memory_space<vmem>>) semaphore(%arg16 : memref<!tpu.dma_semaphore, #tpu.memory_space<semaphore_mem>>)
    %dma_start3A_84 = arith.constant 2 : i32
    %dma_start3A_85 = arith.constant 256 : i32
    %dma_start3A_86 = arith.constant 0 : i32
    %dma_start3A_87 = tpu.memref_slice %arg12[%dma_start3A_85, %dma_start3A_86] : memref<512x32xf32, #tpu.memory_space<vmem>> -> memref<128x32xf32, #tpu.memory_space<vmem>>
    %dma_start3A_88 = arith.constant 0 : i32
    %dma_start3A_89 = tpu.memref_slice %arg10[%dma_start3A_84, %dma_start3A_88] : memref<4x128xi32, #tpu.memory_space<vmem>> -> memref<1x128xi32, #tpu.memory_space<vmem>>
    %dma_start3A_90 = tpu.memref_squeeze %dma_start3A_89 : memref<1x128xi32, #tpu.memory_space<vmem>> -> memref<128xi32, #tpu.memory_space<vmem>>
    %dma_start3A_91 = arith.constant 0 : i32
    %dma_start3A_92 = arith.constant 0 : i32
    %dma_start3A_93 = tpu.memref_slice %arg5[%dma_start3A_91, %dma_start3A_92] : memref<1000000x32xf32, #tpu.memory_space<hbm>> -> memref<1000000x32xf32, #tpu.memory_space<hbm>>
    tpu.enqueue_indirect_dma source(%dma_start3A_93 : memref<1000000x32xf32, #tpu.memory_space<hbm>>) target(%dma_start3A_87 : memref<128x32xf32, #tpu.memory_space<vmem>>) offsets(%dma_start3A_90 : memref<128xi32, #tpu.memory_space<vmem>>) semaphore(%arg16 : memref<!tpu.dma_semaphore, #tpu.memory_space<semaphore_mem>>)
    %dma_start3A_94 = arith.constant 2 : i32
    %dma_start3A_95 = arith.constant 256 : i32
    %dma_start3A_96 = tpu.memref_slice %arg13[%dma_start3A_95] : memref<512xf32, #tpu.memory_space<vmem>> -> memref<128xf32, #tpu.memory_space<vmem>>
    %dma_start3A_97 = arith.constant 0 : i32
    %dma_start3A_98 = tpu.memref_slice %arg9[%dma_start3A_94, %dma_start3A_97] : memref<4x128xi32, #tpu.memory_space<vmem>> -> memref<1x128xi32, #tpu.memory_space<vmem>>
    %dma_start3A_99 = tpu.memref_squeeze %dma_start3A_98 : memref<1x128xi32, #tpu.memory_space<vmem>> -> memref<128xi32, #tpu.memory_space<vmem>>
    %dma_start3A_100 = arith.constant 0 : i32
    %dma_start3A_101 = tpu.memref_slice %arg6[%dma_start3A_100] : memref<1000000xf32, #tpu.memory_space<hbm>> -> memref<1000000xf32, #tpu.memory_space<hbm>>
    tpu.enqueue_indirect_dma source(%dma_start3A_101 : memref<1000000xf32, #tpu.memory_space<hbm>>) target(%dma_start3A_96 : memref<128xf32, #tpu.memory_space<vmem>>) offsets(%dma_start3A_99 : memref<128xi32, #tpu.memory_space<vmem>>) semaphore(%arg16 : memref<!tpu.dma_semaphore, #tpu.memory_space<semaphore_mem>>)
    %dma_start3A_102 = arith.constant 2 : i32
    %dma_start3A_103 = arith.constant 256 : i32
    %dma_start3A_104 = tpu.memref_slice %arg14[%dma_start3A_103] : memref<512xf32, #tpu.memory_space<vmem>> -> memref<128xf32, #tpu.memory_space<vmem>>
    %dma_start3A_105 = arith.constant 0 : i32
    %dma_start3A_106 = tpu.memref_slice %arg10[%dma_start3A_102, %dma_start3A_105] : memref<4x128xi32, #tpu.memory_space<vmem>> -> memref<1x128xi32, #tpu.memory_space<vmem>>
    %dma_start3A_107 = tpu.memref_squeeze %dma_start3A_106 : memref<1x128xi32, #tpu.memory_space<vmem>> -> memref<128xi32, #tpu.memory_space<vmem>>
    %dma_start3A_108 = arith.constant 0 : i32
    %dma_start3A_109 = tpu.memref_slice %arg7[%dma_start3A_108] : memref<1000000xf32, #tpu.memory_space<hbm>> -> memref<1000000xf32, #tpu.memory_space<hbm>>
    tpu.enqueue_indirect_dma source(%dma_start3A_109 : memref<1000000xf32, #tpu.memory_space<hbm>>) target(%dma_start3A_104 : memref<128xf32, #tpu.memory_space<vmem>>) offsets(%dma_start3A_107 : memref<128xi32, #tpu.memory_space<vmem>>) semaphore(%arg16 : memref<!tpu.dma_semaphore, #tpu.memory_space<semaphore_mem>>)
    %dma_start3A_110 = arith.constant 3 : i32
    %dma_start3A_111 = arith.constant 384 : i32
    %dma_start3A_112 = arith.constant 0 : i32
    %dma_start3A_113 = tpu.memref_slice %arg11[%dma_start3A_111, %dma_start3A_112] : memref<512x32xf32, #tpu.memory_space<vmem>> -> memref<128x32xf32, #tpu.memory_space<vmem>>
    %dma_start3A_114 = arith.constant 0 : i32
    %dma_start3A_115 = tpu.memref_slice %arg9[%dma_start3A_110, %dma_start3A_114] : memref<4x128xi32, #tpu.memory_space<vmem>> -> memref<1x128xi32, #tpu.memory_space<vmem>>
    %dma_start3A_116 = tpu.memref_squeeze %dma_start3A_115 : memref<1x128xi32, #tpu.memory_space<vmem>> -> memref<128xi32, #tpu.memory_space<vmem>>
    %dma_start3A_117 = arith.constant 0 : i32
    %dma_start3A_118 = arith.constant 0 : i32
    %dma_start3A_119 = tpu.memref_slice %arg4[%dma_start3A_117, %dma_start3A_118] : memref<1000000x32xf32, #tpu.memory_space<hbm>> -> memref<1000000x32xf32, #tpu.memory_space<hbm>>
    tpu.enqueue_indirect_dma source(%dma_start3A_119 : memref<1000000x32xf32, #tpu.memory_space<hbm>>) target(%dma_start3A_113 : memref<128x32xf32, #tpu.memory_space<vmem>>) offsets(%dma_start3A_116 : memref<128xi32, #tpu.memory_space<vmem>>) semaphore(%arg16 : memref<!tpu.dma_semaphore, #tpu.memory_space<semaphore_mem>>)
    %dma_start3A_120 = arith.constant 3 : i32
    %dma_start3A_121 = arith.constant 384 : i32
    %dma_start3A_122 = arith.constant 0 : i32
    %dma_start3A_123 = tpu.memref_slice %arg12[%dma_start3A_121, %dma_start3A_122] : memref<512x32xf32, #tpu.memory_space<vmem>> -> memref<128x32xf32, #tpu.memory_space<vmem>>
    %dma_start3A_124 = arith.constant 0 : i32
    %dma_start3A_125 = tpu.memref_slice %arg10[%dma_start3A_120, %dma_start3A_124] : memref<4x128xi32, #tpu.memory_space<vmem>> -> memref<1x128xi32, #tpu.memory_space<vmem>>
    %dma_start3A_126 = tpu.memref_squeeze %dma_start3A_125 : memref<1x128xi32, #tpu.memory_space<vmem>> -> memref<128xi32, #tpu.memory_space<vmem>>
    %dma_start3A_127 = arith.constant 0 : i32
    %dma_start3A_128 = arith.constant 0 : i32
    %dma_start3A_129 = tpu.memref_slice %arg5[%dma_start3A_127, %dma_start3A_128] : memref<1000000x32xf32, #tpu.memory_space<hbm>> -> memref<1000000x32xf32, #tpu.memory_space<hbm>>
    tpu.enqueue_indirect_dma source(%dma_start3A_129 : memref<1000000x32xf32, #tpu.memory_space<hbm>>) target(%dma_start3A_123 : memref<128x32xf32, #tpu.memory_space<vmem>>) offsets(%dma_start3A_126 : memref<128xi32, #tpu.memory_space<vmem>>) semaphore(%arg16 : memref<!tpu.dma_semaphore, #tpu.memory_space<semaphore_mem>>)
    %dma_start3A_130 = arith.constant 3 : i32
    %dma_start3A_131 = arith.constant 384 : i32
    %dma_start3A_132 = tpu.memref_slice %arg13[%dma_start3A_131] : memref<512xf32, #tpu.memory_space<vmem>> -> memref<128xf32, #tpu.memory_space<vmem>>
    %dma_start3A_133 = arith.constant 0 : i32
    %dma_start3A_134 = tpu.memref_slice %arg9[%dma_start3A_130, %dma_start3A_133] : memref<4x128xi32, #tpu.memory_space<vmem>> -> memref<1x128xi32, #tpu.memory_space<vmem>>
    %dma_start3A_135 = tpu.memref_squeeze %dma_start3A_134 : memref<1x128xi32, #tpu.memory_space<vmem>> -> memref<128xi32, #tpu.memory_space<vmem>>
    %dma_start3A_136 = arith.constant 0 : i32
    %dma_start3A_137 = tpu.memref_slice %arg6[%dma_start3A_136] : memref<1000000xf32, #tpu.memory_space<hbm>> -> memref<1000000xf32, #tpu.memory_space<hbm>>
    tpu.enqueue_indirect_dma source(%dma_start3A_137 : memref<1000000xf32, #tpu.memory_space<hbm>>) target(%dma_start3A_132 : memref<128xf32, #tpu.memory_space<vmem>>) offsets(%dma_start3A_135 : memref<128xi32, #tpu.memory_space<vmem>>) semaphore(%arg16 : memref<!tpu.dma_semaphore, #tpu.memory_space<semaphore_mem>>)
    %dma_start3A_138 = arith.constant 3 : i32
    %dma_start3A_139 = arith.constant 384 : i32
    %dma_start3A_140 = tpu.memref_slice %arg14[%dma_start3A_139] : memref<512xf32, #tpu.memory_space<vmem>> -> memref<128xf32, #tpu.memory_space<vmem>>
    %dma_start3A_141 = arith.constant 0 : i32
    %dma_start3A_142 = tpu.memref_slice %arg10[%dma_start3A_138, %dma_start3A_141] : memref<4x128xi32, #tpu.memory_space<vmem>> -> memref<1x128xi32, #tpu.memory_space<vmem>>
    %dma_start3A_143 = tpu.memref_squeeze %dma_start3A_142 : memref<1x128xi32, #tpu.memory_space<vmem>> -> memref<128xi32, #tpu.memory_space<vmem>>
    %dma_start3A_144 = arith.constant 0 : i32
    %dma_start3A_145 = tpu.memref_slice %arg7[%dma_start3A_144] : memref<1000000xf32, #tpu.memory_space<hbm>> -> memref<1000000xf32, #tpu.memory_space<hbm>>
    tpu.enqueue_indirect_dma source(%dma_start3A_145 : memref<1000000xf32, #tpu.memory_space<hbm>>) target(%dma_start3A_140 : memref<128xf32, #tpu.memory_space<vmem>>) offsets(%dma_start3A_143 : memref<128xi32, #tpu.memory_space<vmem>>) semaphore(%arg16 : memref<!tpu.dma_semaphore, #tpu.memory_space<semaphore_mem>>)
    %dma_wait3A = arith.constant 0 : i32
    %dma_wait3A_146 = arith.constant 0 : i32
    %dma_wait3A_147 = arith.constant 0 : i32
    %dma_wait3A_148 = tpu.memref_slice %arg11[%dma_wait3A_146, %dma_wait3A_147] : memref<512x32xf32, #tpu.memory_space<vmem>> -> memref<128x32xf32, #tpu.memory_space<vmem>>
    %dma_wait3A_149 = arith.constant 0 : i32
    %dma_wait3A_150 = tpu.memref_slice %arg9[%dma_wait3A, %dma_wait3A_149] : memref<4x128xi32, #tpu.memory_space<vmem>> -> memref<1x128xi32, #tpu.memory_space<vmem>>
    %dma_wait3A_151 = tpu.memref_squeeze %dma_wait3A_150 : memref<1x128xi32, #tpu.memory_space<vmem>> -> memref<128xi32, #tpu.memory_space<vmem>>
    %dma_wait3A_152 = arith.constant 0 : i32
    %dma_wait3A_153 = arith.constant 0 : i32
    %dma_wait3A_154 = tpu.memref_slice %arg4[%dma_wait3A_152, %dma_wait3A_153] : memref<1000000x32xf32, #tpu.memory_space<hbm>> -> memref<1000000x32xf32, #tpu.memory_space<hbm>>
    tpu.wait_indirect_dma semaphore(%arg16 : memref<!tpu.dma_semaphore, #tpu.memory_space<semaphore_mem>>) src(%dma_wait3A_154 : memref<1000000x32xf32, #tpu.memory_space<hbm>>) dst(%dma_wait3A_148 : memref<128x32xf32, #tpu.memory_space<vmem>>)
    %dma_wait3A_155 = arith.constant 0 : i32
    %dma_wait3A_156 = arith.constant 0 : i32
    %dma_wait3A_157 = arith.constant 0 : i32
    %dma_wait3A_158 = tpu.memref_slice %arg12[%dma_wait3A_156, %dma_wait3A_157] : memref<512x32xf32, #tpu.memory_space<vmem>> -> memref<128x32xf32, #tpu.memory_space<vmem>>
    %dma_wait3A_159 = arith.constant 0 : i32
    %dma_wait3A_160 = tpu.memref_slice %arg10[%dma_wait3A_155, %dma_wait3A_159] : memref<4x128xi32, #tpu.memory_space<vmem>> -> memref<1x128xi32, #tpu.memory_space<vmem>>
    %dma_wait3A_161 = tpu.memref_squeeze %dma_wait3A_160 : memref<1x128xi32, #tpu.memory_space<vmem>> -> memref<128xi32, #tpu.memory_space<vmem>>
    %dma_wait3A_162 = arith.constant 0 : i32
    %dma_wait3A_163 = arith.constant 0 : i32
    %dma_wait3A_164 = tpu.memref_slice %arg5[%dma_wait3A_162, %dma_wait3A_163] : memref<1000000x32xf32, #tpu.memory_space<hbm>> -> memref<1000000x32xf32, #tpu.memory_space<hbm>>
    tpu.wait_indirect_dma semaphore(%arg16 : memref<!tpu.dma_semaphore, #tpu.memory_space<semaphore_mem>>) src(%dma_wait3A_164 : memref<1000000x32xf32, #tpu.memory_space<hbm>>) dst(%dma_wait3A_158 : memref<128x32xf32, #tpu.memory_space<vmem>>)
    %dma_wait3A_165 = arith.constant 0 : i32
    %dma_wait3A_166 = arith.constant 0 : i32
    %dma_wait3A_167 = tpu.memref_slice %arg13[%dma_wait3A_166] : memref<512xf32, #tpu.memory_space<vmem>> -> memref<128xf32, #tpu.memory_space<vmem>>
    %dma_wait3A_168 = arith.constant 0 : i32
    %dma_wait3A_169 = tpu.memref_slice %arg9[%dma_wait3A_165, %dma_wait3A_168] : memref<4x128xi32, #tpu.memory_space<vmem>> -> memref<1x128xi32, #tpu.memory_space<vmem>>
    %dma_wait3A_170 = tpu.memref_squeeze %dma_wait3A_169 : memref<1x128xi32, #tpu.memory_space<vmem>> -> memref<128xi32, #tpu.memory_space<vmem>>
    %dma_wait3A_171 = arith.constant 0 : i32
    %dma_wait3A_172 = tpu.memref_slice %arg6[%dma_wait3A_171] : memref<1000000xf32, #tpu.memory_space<hbm>> -> memref<1000000xf32, #tpu.memory_space<hbm>>
    tpu.wait_indirect_dma semaphore(%arg16 : memref<!tpu.dma_semaphore, #tpu.memory_space<semaphore_mem>>) src(%dma_wait3A_172 : memref<1000000xf32, #tpu.memory_space<hbm>>) dst(%dma_wait3A_167 : memref<128xf32, #tpu.memory_space<vmem>>)
    %dma_wait3A_173 = arith.constant 0 : i32
    %dma_wait3A_174 = arith.constant 0 : i32
    %dma_wait3A_175 = tpu.memref_slice %arg14[%dma_wait3A_174] : memref<512xf32, #tpu.memory_space<vmem>> -> memref<128xf32, #tpu.memory_space<vmem>>
    %dma_wait3A_176 = arith.constant 0 : i32
    %dma_wait3A_177 = tpu.memref_slice %arg10[%dma_wait3A_173, %dma_wait3A_176] : memref<4x128xi32, #tpu.memory_space<vmem>> -> memref<1x128xi32, #tpu.memory_space<vmem>>
    %dma_wait3A_178 = tpu.memref_squeeze %dma_wait3A_177 : memref<1x128xi32, #tpu.memory_space<vmem>> -> memref<128xi32, #tpu.memory_space<vmem>>
    %dma_wait3A_179 = arith.constant 0 : i32
    %dma_wait3A_180 = tpu.memref_slice %arg7[%dma_wait3A_179] : memref<1000000xf32, #tpu.memory_space<hbm>> -> memref<1000000xf32, #tpu.memory_space<hbm>>
    tpu.wait_indirect_dma semaphore(%arg16 : memref<!tpu.dma_semaphore, #tpu.memory_space<semaphore_mem>>) src(%dma_wait3A_180 : memref<1000000xf32, #tpu.memory_space<hbm>>) dst(%dma_wait3A_175 : memref<128xf32, #tpu.memory_space<vmem>>)
    %dma_wait3A_181 = arith.constant 1 : i32
    %dma_wait3A_182 = arith.constant 128 : i32
    %dma_wait3A_183 = arith.constant 0 : i32
    %dma_wait3A_184 = tpu.memref_slice %arg11[%dma_wait3A_182, %dma_wait3A_183] : memref<512x32xf32, #tpu.memory_space<vmem>> -> memref<128x32xf32, #tpu.memory_space<vmem>>
    %dma_wait3A_185 = arith.constant 0 : i32
    %dma_wait3A_186 = tpu.memref_slice %arg9[%dma_wait3A_181, %dma_wait3A_185] : memref<4x128xi32, #tpu.memory_space<vmem>> -> memref<1x128xi32, #tpu.memory_space<vmem>>
    %dma_wait3A_187 = tpu.memref_squeeze %dma_wait3A_186 : memref<1x128xi32, #tpu.memory_space<vmem>> -> memref<128xi32, #tpu.memory_space<vmem>>
    %dma_wait3A_188 = arith.constant 0 : i32
    %dma_wait3A_189 = arith.constant 0 : i32
    %dma_wait3A_190 = tpu.memref_slice %arg4[%dma_wait3A_188, %dma_wait3A_189] : memref<1000000x32xf32, #tpu.memory_space<hbm>> -> memref<1000000x32xf32, #tpu.memory_space<hbm>>
    tpu.wait_indirect_dma semaphore(%arg16 : memref<!tpu.dma_semaphore, #tpu.memory_space<semaphore_mem>>) src(%dma_wait3A_190 : memref<1000000x32xf32, #tpu.memory_space<hbm>>) dst(%dma_wait3A_184 : memref<128x32xf32, #tpu.memory_space<vmem>>)
    %dma_wait3A_191 = arith.constant 1 : i32
    %dma_wait3A_192 = arith.constant 128 : i32
    %dma_wait3A_193 = arith.constant 0 : i32
    %dma_wait3A_194 = tpu.memref_slice %arg12[%dma_wait3A_192, %dma_wait3A_193] : memref<512x32xf32, #tpu.memory_space<vmem>> -> memref<128x32xf32, #tpu.memory_space<vmem>>
    %dma_wait3A_195 = arith.constant 0 : i32
    %dma_wait3A_196 = tpu.memref_slice %arg10[%dma_wait3A_191, %dma_wait3A_195] : memref<4x128xi32, #tpu.memory_space<vmem>> -> memref<1x128xi32, #tpu.memory_space<vmem>>
    %dma_wait3A_197 = tpu.memref_squeeze %dma_wait3A_196 : memref<1x128xi32, #tpu.memory_space<vmem>> -> memref<128xi32, #tpu.memory_space<vmem>>
    %dma_wait3A_198 = arith.constant 0 : i32
    %dma_wait3A_199 = arith.constant 0 : i32
    %dma_wait3A_200 = tpu.memref_slice %arg5[%dma_wait3A_198, %dma_wait3A_199] : memref<1000000x32xf32, #tpu.memory_space<hbm>> -> memref<1000000x32xf32, #tpu.memory_space<hbm>>
    tpu.wait_indirect_dma semaphore(%arg16 : memref<!tpu.dma_semaphore, #tpu.memory_space<semaphore_mem>>) src(%dma_wait3A_200 : memref<1000000x32xf32, #tpu.memory_space<hbm>>) dst(%dma_wait3A_194 : memref<128x32xf32, #tpu.memory_space<vmem>>)
    %dma_wait3A_201 = arith.constant 1 : i32
    %dma_wait3A_202 = arith.constant 128 : i32
    %dma_wait3A_203 = tpu.memref_slice %arg13[%dma_wait3A_202] : memref<512xf32, #tpu.memory_space<vmem>> -> memref<128xf32, #tpu.memory_space<vmem>>
    %dma_wait3A_204 = arith.constant 0 : i32
    %dma_wait3A_205 = tpu.memref_slice %arg9[%dma_wait3A_201, %dma_wait3A_204] : memref<4x128xi32, #tpu.memory_space<vmem>> -> memref<1x128xi32, #tpu.memory_space<vmem>>
    %dma_wait3A_206 = tpu.memref_squeeze %dma_wait3A_205 : memref<1x128xi32, #tpu.memory_space<vmem>> -> memref<128xi32, #tpu.memory_space<vmem>>
    %dma_wait3A_207 = arith.constant 0 : i32
    %dma_wait3A_208 = tpu.memref_slice %arg6[%dma_wait3A_207] : memref<1000000xf32, #tpu.memory_space<hbm>> -> memref<1000000xf32, #tpu.memory_space<hbm>>
    tpu.wait_indirect_dma semaphore(%arg16 : memref<!tpu.dma_semaphore, #tpu.memory_space<semaphore_mem>>) src(%dma_wait3A_208 : memref<1000000xf32, #tpu.memory_space<hbm>>) dst(%dma_wait3A_203 : memref<128xf32, #tpu.memory_space<vmem>>)
    %dma_wait3A_209 = arith.constant 1 : i32
    %dma_wait3A_210 = arith.constant 128 : i32
    %dma_wait3A_211 = tpu.memref_slice %arg14[%dma_wait3A_210] : memref<512xf32, #tpu.memory_space<vmem>> -> memref<128xf32, #tpu.memory_space<vmem>>
    %dma_wait3A_212 = arith.constant 0 : i32
    %dma_wait3A_213 = tpu.memref_slice %arg10[%dma_wait3A_209, %dma_wait3A_212] : memref<4x128xi32, #tpu.memory_space<vmem>> -> memref<1x128xi32, #tpu.memory_space<vmem>>
    %dma_wait3A_214 = tpu.memref_squeeze %dma_wait3A_213 : memref<1x128xi32, #tpu.memory_space<vmem>> -> memref<128xi32, #tpu.memory_space<vmem>>
    %dma_wait3A_215 = arith.constant 0 : i32
    %dma_wait3A_216 = tpu.memref_slice %arg7[%dma_wait3A_215] : memref<1000000xf32, #tpu.memory_space<hbm>> -> memref<1000000xf32, #tpu.memory_space<hbm>>
    tpu.wait_indirect_dma semaphore(%arg16 : memref<!tpu.dma_semaphore, #tpu.memory_space<semaphore_mem>>) src(%dma_wait3A_216 : memref<1000000xf32, #tpu.memory_space<hbm>>) dst(%dma_wait3A_211 : memref<128xf32, #tpu.memory_space<vmem>>)
    %dma_wait3A_217 = arith.constant 2 : i32
    %dma_wait3A_218 = arith.constant 256 : i32
    %dma_wait3A_219 = arith.constant 0 : i32
    %dma_wait3A_220 = tpu.memref_slice %arg11[%dma_wait3A_218, %dma_wait3A_219] : memref<512x32xf32, #tpu.memory_space<vmem>> -> memref<128x32xf32, #tpu.memory_space<vmem>>
    %dma_wait3A_221 = arith.constant 0 : i32
    %dma_wait3A_222 = tpu.memref_slice %arg9[%dma_wait3A_217, %dma_wait3A_221] : memref<4x128xi32, #tpu.memory_space<vmem>> -> memref<1x128xi32, #tpu.memory_space<vmem>>
    %dma_wait3A_223 = tpu.memref_squeeze %dma_wait3A_222 : memref<1x128xi32, #tpu.memory_space<vmem>> -> memref<128xi32, #tpu.memory_space<vmem>>
    %dma_wait3A_224 = arith.constant 0 : i32
    %dma_wait3A_225 = arith.constant 0 : i32
    %dma_wait3A_226 = tpu.memref_slice %arg4[%dma_wait3A_224, %dma_wait3A_225] : memref<1000000x32xf32, #tpu.memory_space<hbm>> -> memref<1000000x32xf32, #tpu.memory_space<hbm>>
    tpu.wait_indirect_dma semaphore(%arg16 : memref<!tpu.dma_semaphore, #tpu.memory_space<semaphore_mem>>) src(%dma_wait3A_226 : memref<1000000x32xf32, #tpu.memory_space<hbm>>) dst(%dma_wait3A_220 : memref<128x32xf32, #tpu.memory_space<vmem>>)
    %dma_wait3A_227 = arith.constant 2 : i32
    %dma_wait3A_228 = arith.constant 256 : i32
    %dma_wait3A_229 = arith.constant 0 : i32
    %dma_wait3A_230 = tpu.memref_slice %arg12[%dma_wait3A_228, %dma_wait3A_229] : memref<512x32xf32, #tpu.memory_space<vmem>> -> memref<128x32xf32, #tpu.memory_space<vmem>>
    %dma_wait3A_231 = arith.constant 0 : i32
    %dma_wait3A_232 = tpu.memref_slice %arg10[%dma_wait3A_227, %dma_wait3A_231] : memref<4x128xi32, #tpu.memory_space<vmem>> -> memref<1x128xi32, #tpu.memory_space<vmem>>
    %dma_wait3A_233 = tpu.memref_squeeze %dma_wait3A_232 : memref<1x128xi32, #tpu.memory_space<vmem>> -> memref<128xi32, #tpu.memory_space<vmem>>
    %dma_wait3A_234 = arith.constant 0 : i32
    %dma_wait3A_235 = arith.constant 0 : i32
    %dma_wait3A_236 = tpu.memref_slice %arg5[%dma_wait3A_234, %dma_wait3A_235] : memref<1000000x32xf32, #tpu.memory_space<hbm>> -> memref<1000000x32xf32, #tpu.memory_space<hbm>>
    tpu.wait_indirect_dma semaphore(%arg16 : memref<!tpu.dma_semaphore, #tpu.memory_space<semaphore_mem>>) src(%dma_wait3A_236 : memref<1000000x32xf32, #tpu.memory_space<hbm>>) dst(%dma_wait3A_230 : memref<128x32xf32, #tpu.memory_space<vmem>>)
    %dma_wait3A_237 = arith.constant 2 : i32
    %dma_wait3A_238 = arith.constant 256 : i32
    %dma_wait3A_239 = tpu.memref_slice %arg13[%dma_wait3A_238] : memref<512xf32, #tpu.memory_space<vmem>> -> memref<128xf32, #tpu.memory_space<vmem>>
    %dma_wait3A_240 = arith.constant 0 : i32
    %dma_wait3A_241 = tpu.memref_slice %arg9[%dma_wait3A_237, %dma_wait3A_240] : memref<4x128xi32, #tpu.memory_space<vmem>> -> memref<1x128xi32, #tpu.memory_space<vmem>>
    %dma_wait3A_242 = tpu.memref_squeeze %dma_wait3A_241 : memref<1x128xi32, #tpu.memory_space<vmem>> -> memref<128xi32, #tpu.memory_space<vmem>>
    %dma_wait3A_243 = arith.constant 0 : i32
    %dma_wait3A_244 = tpu.memref_slice %arg6[%dma_wait3A_243] : memref<1000000xf32, #tpu.memory_space<hbm>> -> memref<1000000xf32, #tpu.memory_space<hbm>>
    tpu.wait_indirect_dma semaphore(%arg16 : memref<!tpu.dma_semaphore, #tpu.memory_space<semaphore_mem>>) src(%dma_wait3A_244 : memref<1000000xf32, #tpu.memory_space<hbm>>) dst(%dma_wait3A_239 : memref<128xf32, #tpu.memory_space<vmem>>)
    %dma_wait3A_245 = arith.constant 2 : i32
    %dma_wait3A_246 = arith.constant 256 : i32
    %dma_wait3A_247 = tpu.memref_slice %arg14[%dma_wait3A_246] : memref<512xf32, #tpu.memory_space<vmem>> -> memref<128xf32, #tpu.memory_space<vmem>>
    %dma_wait3A_248 = arith.constant 0 : i32
    %dma_wait3A_249 = tpu.memref_slice %arg10[%dma_wait3A_245, %dma_wait3A_248] : memref<4x128xi32, #tpu.memory_space<vmem>> -> memref<1x128xi32, #tpu.memory_space<vmem>>
    %dma_wait3A_250 = tpu.memref_squeeze %dma_wait3A_249 : memref<1x128xi32, #tpu.memory_space<vmem>> -> memref<128xi32, #tpu.memory_space<vmem>>
    %dma_wait3A_251 = arith.constant 0 : i32
    %dma_wait3A_252 = tpu.memref_slice %arg7[%dma_wait3A_251] : memref<1000000xf32, #tpu.memory_space<hbm>> -> memref<1000000xf32, #tpu.memory_space<hbm>>
    tpu.wait_indirect_dma semaphore(%arg16 : memref<!tpu.dma_semaphore, #tpu.memory_space<semaphore_mem>>) src(%dma_wait3A_252 : memref<1000000xf32, #tpu.memory_space<hbm>>) dst(%dma_wait3A_247 : memref<128xf32, #tpu.memory_space<vmem>>)
    %dma_wait3A_253 = arith.constant 3 : i32
    %dma_wait3A_254 = arith.constant 384 : i32
    %dma_wait3A_255 = arith.constant 0 : i32
    %dma_wait3A_256 = tpu.memref_slice %arg11[%dma_wait3A_254, %dma_wait3A_255] : memref<512x32xf32, #tpu.memory_space<vmem>> -> memref<128x32xf32, #tpu.memory_space<vmem>>
    %dma_wait3A_257 = arith.constant 0 : i32
    %dma_wait3A_258 = tpu.memref_slice %arg9[%dma_wait3A_253, %dma_wait3A_257] : memref<4x128xi32, #tpu.memory_space<vmem>> -> memref<1x128xi32, #tpu.memory_space<vmem>>
    %dma_wait3A_259 = tpu.memref_squeeze %dma_wait3A_258 : memref<1x128xi32, #tpu.memory_space<vmem>> -> memref<128xi32, #tpu.memory_space<vmem>>
    %dma_wait3A_260 = arith.constant 0 : i32
    %dma_wait3A_261 = arith.constant 0 : i32
    %dma_wait3A_262 = tpu.memref_slice %arg4[%dma_wait3A_260, %dma_wait3A_261] : memref<1000000x32xf32, #tpu.memory_space<hbm>> -> memref<1000000x32xf32, #tpu.memory_space<hbm>>
    tpu.wait_indirect_dma semaphore(%arg16 : memref<!tpu.dma_semaphore, #tpu.memory_space<semaphore_mem>>) src(%dma_wait3A_262 : memref<1000000x32xf32, #tpu.memory_space<hbm>>) dst(%dma_wait3A_256 : memref<128x32xf32, #tpu.memory_space<vmem>>)
    %dma_wait3A_263 = arith.constant 3 : i32
    %dma_wait3A_264 = arith.constant 384 : i32
    %dma_wait3A_265 = arith.constant 0 : i32
    %dma_wait3A_266 = tpu.memref_slice %arg12[%dma_wait3A_264, %dma_wait3A_265] : memref<512x32xf32, #tpu.memory_space<vmem>> -> memref<128x32xf32, #tpu.memory_space<vmem>>
    %dma_wait3A_267 = arith.constant 0 : i32
    %dma_wait3A_268 = tpu.memref_slice %arg10[%dma_wait3A_263, %dma_wait3A_267] : memref<4x128xi32, #tpu.memory_space<vmem>> -> memref<1x128xi32, #tpu.memory_space<vmem>>
    %dma_wait3A_269 = tpu.memref_squeeze %dma_wait3A_268 : memref<1x128xi32, #tpu.memory_space<vmem>> -> memref<128xi32, #tpu.memory_space<vmem>>
    %dma_wait3A_270 = arith.constant 0 : i32
    %dma_wait3A_271 = arith.constant 0 : i32
    %dma_wait3A_272 = tpu.memref_slice %arg5[%dma_wait3A_270, %dma_wait3A_271] : memref<1000000x32xf32, #tpu.memory_space<hbm>> -> memref<1000000x32xf32, #tpu.memory_space<hbm>>
    tpu.wait_indirect_dma semaphore(%arg16 : memref<!tpu.dma_semaphore, #tpu.memory_space<semaphore_mem>>) src(%dma_wait3A_272 : memref<1000000x32xf32, #tpu.memory_space<hbm>>) dst(%dma_wait3A_266 : memref<128x32xf32, #tpu.memory_space<vmem>>)
    %dma_wait3A_273 = arith.constant 3 : i32
    %dma_wait3A_274 = arith.constant 384 : i32
    %dma_wait3A_275 = tpu.memref_slice %arg13[%dma_wait3A_274] : memref<512xf32, #tpu.memory_space<vmem>> -> memref<128xf32, #tpu.memory_space<vmem>>
    %dma_wait3A_276 = arith.constant 0 : i32
    %dma_wait3A_277 = tpu.memref_slice %arg9[%dma_wait3A_273, %dma_wait3A_276] : memref<4x128xi32, #tpu.memory_space<vmem>> -> memref<1x128xi32, #tpu.memory_space<vmem>>
    %dma_wait3A_278 = tpu.memref_squeeze %dma_wait3A_277 : memref<1x128xi32, #tpu.memory_space<vmem>> -> memref<128xi32, #tpu.memory_space<vmem>>
    %dma_wait3A_279 = arith.constant 0 : i32
    %dma_wait3A_280 = tpu.memref_slice %arg6[%dma_wait3A_279] : memref<1000000xf32, #tpu.memory_space<hbm>> -> memref<1000000xf32, #tpu.memory_space<hbm>>
    tpu.wait_indirect_dma semaphore(%arg16 : memref<!tpu.dma_semaphore, #tpu.memory_space<semaphore_mem>>) src(%dma_wait3A_280 : memref<1000000xf32, #tpu.memory_space<hbm>>) dst(%dma_wait3A_275 : memref<128xf32, #tpu.memory_space<vmem>>)
    %dma_wait3A_281 = arith.constant 3 : i32
    %dma_wait3A_282 = arith.constant 384 : i32
    %dma_wait3A_283 = tpu.memref_slice %arg14[%dma_wait3A_282] : memref<512xf32, #tpu.memory_space<vmem>> -> memref<128xf32, #tpu.memory_space<vmem>>
    %dma_wait3A_284 = arith.constant 0 : i32
    %dma_wait3A_285 = tpu.memref_slice %arg10[%dma_wait3A_281, %dma_wait3A_284] : memref<4x128xi32, #tpu.memory_space<vmem>> -> memref<1x128xi32, #tpu.memory_space<vmem>>
    %dma_wait3A_286 = tpu.memref_squeeze %dma_wait3A_285 : memref<1x128xi32, #tpu.memory_space<vmem>> -> memref<128xi32, #tpu.memory_space<vmem>>
    %dma_wait3A_287 = arith.constant 0 : i32
    %dma_wait3A_288 = tpu.memref_slice %arg7[%dma_wait3A_287] : memref<1000000xf32, #tpu.memory_space<hbm>> -> memref<1000000xf32, #tpu.memory_space<hbm>>
    tpu.wait_indirect_dma semaphore(%arg16 : memref<!tpu.dma_semaphore, #tpu.memory_space<semaphore_mem>>) src(%dma_wait3A_288 : memref<1000000xf32, #tpu.memory_space<hbm>>) dst(%dma_wait3A_283 : memref<128xf32, #tpu.memory_space<vmem>>)
    %iota3A = tpu.iota {dimensions = array<i32: 0>} : vector<16xi32>
    %scan3A = arith.constant 0 : i32
    %scan3A_289 = arith.constant 0 : i32
    %scan3A_290 = arith.constant 32 : i32
    %scan3A_291 = arith.addi %scan3A_289, %scan3A_290 : i32
    %scan3A_292 = arith.constant 1 : i32
    scf.for %scan3A_294 = %scan3A_289 to %scan3A_291 step %scan3A_292  : i32 {
      %mul3A_295 = arith.constant 16 : i32
      %mul3A_296 = arith.muli %scan3A_294, %mul3A_295 : i32
      %mul3A_297 = arith.constant 16 : i32
      %mul3A_298 = arith.muli %scan3A_294, %mul3A_297 : i32
      %add3A_299 = vector.broadcast %mul3A_298 : i32 to vector<16xi32>
      %add3A_300 = arith.addi %iota3A, %add3A_299 : vector<16xi32>
      %get3A = arith.index_cast %mul3A_296 : i32 to index
      %get3A_301 = tpu.vector_load %arg13[%get3A] {strides = array<i32>} : memref<512xf32, #tpu.memory_space<vmem>>, vector<16xf32>,
      %get3A_302 = arith.index_cast %mul3A_296 : i32 to index
      %get3A_303 = tpu.vector_load %arg14[%get3A_302] {strides = array<i32>} : memref<512xf32, #tpu.memory_space<vmem>>, vector<16xf32>,
      %add3A_304 = arith.addf %get3A_301, %get3A_303 : vector<16xf32>
      %broadcast_in_dim3A = arith.constant 0 : i32
      %broadcast_in_dim3A_305 = vector.broadcast %broadcast_in_dim3A : i32 to vector<16xi32>
      %gather3A = tpu.vector_load_idx %arg11[%add3A_300, %broadcast_in_dim3A_305] : memref<512x32xf32, #tpu.memory_space<vmem>>[vector<16xi32>, vector<16xi32>], vector<16xf32>,
      %gather3A_306 = tpu.vector_load_idx %arg12[%add3A_300, %broadcast_in_dim3A_305] : memref<512x32xf32, #tpu.memory_space<vmem>>[vector<16xi32>, vector<16xi32>], vector<16xf32>,
      %mul3A_307 = arith.mulf %gather3A, %gather3A_306 : vector<16xf32>
      %add3A_308 = arith.addf %add3A_304, %mul3A_307 : vector<16xf32>
      %broadcast_in_dim3A_309 = arith.constant 1 : i32
      %broadcast_in_dim3A_310 = vector.broadcast %broadcast_in_dim3A_309 : i32 to vector<16xi32>
      %gather3A_311 = tpu.vector_load_idx %arg11[%add3A_300, %broadcast_in_dim3A_310] : memref<512x32xf32, #tpu.memory_space<vmem>>[vector<16xi32>, vector<16xi32>], vector<16xf32>,
      %gather3A_312 = tpu.vector_load_idx %arg12[%add3A_300, %broadcast_in_dim3A_310] : memref<512x32xf32, #tpu.memory_space<vmem>>[vector<16xi32>, vector<16xi32>], vector<16xf32>,
      %mul3A_313 = arith.mulf %gather3A_311, %gather3A_312 : vector<16xf32>
      %add3A_314 = arith.addf %add3A_308, %mul3A_313 : vector<16xf32>
      %broadcast_in_dim3A_315 = arith.constant 2 : i32
      %broadcast_in_dim3A_316 = vector.broadcast %broadcast_in_dim3A_315 : i32 to vector<16xi32>
      %gather3A_317 = tpu.vector_load_idx %arg11[%add3A_300, %broadcast_in_dim3A_316] : memref<512x32xf32, #tpu.memory_space<vmem>>[vector<16xi32>, vector<16xi32>], vector<16xf32>,
      %gather3A_318 = tpu.vector_load_idx %arg12[%add3A_300, %broadcast_in_dim3A_316] : memref<512x32xf32, #tpu.memory_space<vmem>>[vector<16xi32>, vector<16xi32>], vector<16xf32>,
      %mul3A_319 = arith.mulf %gather3A_317, %gather3A_318 : vector<16xf32>
      %add3A_320 = arith.addf %add3A_314, %mul3A_319 : vector<16xf32>
      %broadcast_in_dim3A_321 = arith.constant 3 : i32
      %broadcast_in_dim3A_322 = vector.broadcast %broadcast_in_dim3A_321 : i32 to vector<16xi32>
      %gather3A_323 = tpu.vector_load_idx %arg11[%add3A_300, %broadcast_in_dim3A_322] : memref<512x32xf32, #tpu.memory_space<vmem>>[vector<16xi32>, vector<16xi32>], vector<16xf32>,
      %gather3A_324 = tpu.vector_load_idx %arg12[%add3A_300, %broadcast_in_dim3A_322] : memref<512x32xf32, #tpu.memory_space<vmem>>[vector<16xi32>, vector<16xi32>], vector<16xf32>,
      %mul3A_325 = arith.mulf %gather3A_323, %gather3A_324 : vector<16xf32>
      %add3A_326 = arith.addf %add3A_320, %mul3A_325 : vector<16xf32>
      %broadcast_in_dim3A_327 = arith.constant 4 : i32
      %broadcast_in_dim3A_328 = vector.broadcast %broadcast_in_dim3A_327 : i32 to vector<16xi32>
      %gather3A_329 = tpu.vector_load_idx %arg11[%add3A_300, %broadcast_in_dim3A_328] : memref<512x32xf32, #tpu.memory_space<vmem>>[vector<16xi32>, vector<16xi32>], vector<16xf32>,
      %gather3A_330 = tpu.vector_load_idx %arg12[%add3A_300, %broadcast_in_dim3A_328] : memref<512x32xf32, #tpu.memory_space<vmem>>[vector<16xi32>, vector<16xi32>], vector<16xf32>,
      %mul3A_331 = arith.mulf %gather3A_329, %gather3A_330 : vector<16xf32>
      %add3A_332 = arith.addf %add3A_326, %mul3A_331 : vector<16xf32>
      %broadcast_in_dim3A_333 = arith.constant 5 : i32
      %broadcast_in_dim3A_334 = vector.broadcast %broadcast_in_dim3A_333 : i32 to vector<16xi32>
      %gather3A_335 = tpu.vector_load_idx %arg11[%add3A_300, %broadcast_in_dim3A_334] : memref<512x32xf32, #tpu.memory_space<vmem>>[vector<16xi32>, vector<16xi32>], vector<16xf32>,
      %gather3A_336 = tpu.vector_load_idx %arg12[%add3A_300, %broadcast_in_dim3A_334] : memref<512x32xf32, #tpu.memory_space<vmem>>[vector<16xi32>, vector<16xi32>], vector<16xf32>,
      %mul3A_337 = arith.mulf %gather3A_335, %gather3A_336 : vector<16xf32>
      %add3A_338 = arith.addf %add3A_332, %mul3A_337 : vector<16xf32>
      %broadcast_in_dim3A_339 = arith.constant 6 : i32
      %broadcast_in_dim3A_340 = vector.broadcast %broadcast_in_dim3A_339 : i32 to vector<16xi32>
      %gather3A_341 = tpu.vector_load_idx %arg11[%add3A_300, %broadcast_in_dim3A_340] : memref<512x32xf32, #tpu.memory_space<vmem>>[vector<16xi32>, vector<16xi32>], vector<16xf32>,
      %gather3A_342 = tpu.vector_load_idx %arg12[%add3A_300, %broadcast_in_dim3A_340] : memref<512x32xf32, #tpu.memory_space<vmem>>[vector<16xi32>, vector<16xi32>], vector<16xf32>,
      %mul3A_343 = arith.mulf %gather3A_341, %gather3A_342 : vector<16xf32>
      %add3A_344 = arith.addf %add3A_338, %mul3A_343 : vector<16xf32>
      %broadcast_in_dim3A_345 = arith.constant 7 : i32
      %broadcast_in_dim3A_346 = vector.broadcast %broadcast_in_dim3A_345 : i32 to vector<16xi32>
      %gather3A_347 = tpu.vector_load_idx %arg11[%add3A_300, %broadcast_in_dim3A_346] : memref<512x32xf32, #tpu.memory_space<vmem>>[vector<16xi32>, vector<16xi32>], vector<16xf32>,
      %gather3A_348 = tpu.vector_load_idx %arg12[%add3A_300, %broadcast_in_dim3A_346] : memref<512x32xf32, #tpu.memory_space<vmem>>[vector<16xi32>, vector<16xi32>], vector<16xf32>,
      %mul3A_349 = arith.mulf %gather3A_347, %gather3A_348 : vector<16xf32>
      %add3A_350 = arith.addf %add3A_344, %mul3A_349 : vector<16xf32>
      %broadcast_in_dim3A_351 = arith.constant 8 : i32
      %broadcast_in_dim3A_352 = vector.broadcast %broadcast_in_dim3A_351 : i32 to vector<16xi32>
      %gather3A_353 = tpu.vector_load_idx %arg11[%add3A_300, %broadcast_in_dim3A_352] : memref<512x32xf32, #tpu.memory_space<vmem>>[vector<16xi32>, vector<16xi32>], vector<16xf32>,
      %gather3A_354 = tpu.vector_load_idx %arg12[%add3A_300, %broadcast_in_dim3A_352] : memref<512x32xf32, #tpu.memory_space<vmem>>[vector<16xi32>, vector<16xi32>], vector<16xf32>,
      %mul3A_355 = arith.mulf %gather3A_353, %gather3A_354 : vector<16xf32>
      %add3A_356 = arith.addf %add3A_350, %mul3A_355 : vector<16xf32>
      %broadcast_in_dim3A_357 = arith.constant 9 : i32
      %broadcast_in_dim3A_358 = vector.broadcast %broadcast_in_dim3A_357 : i32 to vector<16xi32>
      %gather3A_359 = tpu.vector_load_idx %arg11[%add3A_300, %broadcast_in_dim3A_358] : memref<512x32xf32, #tpu.memory_space<vmem>>[vector<16xi32>, vector<16xi32>], vector<16xf32>,
      %gather3A_360 = tpu.vector_load_idx %arg12[%add3A_300, %broadcast_in_dim3A_358] : memref<512x32xf32, #tpu.memory_space<vmem>>[vector<16xi32>, vector<16xi32>], vector<16xf32>,
      %mul3A_361 = arith.mulf %gather3A_359, %gather3A_360 : vector<16xf32>
      %add3A_362 = arith.addf %add3A_356, %mul3A_361 : vector<16xf32>
      %broadcast_in_dim3A_363 = arith.constant 10 : i32
      %broadcast_in_dim3A_364 = vector.broadcast %broadcast_in_dim3A_363 : i32 to vector<16xi32>
      %gather3A_365 = tpu.vector_load_idx %arg11[%add3A_300, %broadcast_in_dim3A_364] : memref<512x32xf32, #tpu.memory_space<vmem>>[vector<16xi32>, vector<16xi32>], vector<16xf32>,
      %gather3A_366 = tpu.vector_load_idx %arg12[%add3A_300, %broadcast_in_dim3A_364] : memref<512x32xf32, #tpu.memory_space<vmem>>[vector<16xi32>, vector<16xi32>], vector<16xf32>,
      %mul3A_367 = arith.mulf %gather3A_365, %gather3A_366 : vector<16xf32>
      %add3A_368 = arith.addf %add3A_362, %mul3A_367 : vector<16xf32>
      %broadcast_in_dim3A_369 = arith.constant 11 : i32
      %broadcast_in_dim3A_370 = vector.broadcast %broadcast_in_dim3A_369 : i32 to vector<16xi32>
      %gather3A_371 = tpu.vector_load_idx %arg11[%add3A_300, %broadcast_in_dim3A_370] : memref<512x32xf32, #tpu.memory_space<vmem>>[vector<16xi32>, vector<16xi32>], vector<16xf32>,
      %gather3A_372 = tpu.vector_load_idx %arg12[%add3A_300, %broadcast_in_dim3A_370] : memref<512x32xf32, #tpu.memory_space<vmem>>[vector<16xi32>, vector<16xi32>], vector<16xf32>,
      %mul3A_373 = arith.mulf %gather3A_371, %gather3A_372 : vector<16xf32>
      %add3A_374 = arith.addf %add3A_368, %mul3A_373 : vector<16xf32>
      %broadcast_in_dim3A_375 = arith.constant 12 : i32
      %broadcast_in_dim3A_376 = vector.broadcast %broadcast_in_dim3A_375 : i32 to vector<16xi32>
      %gather3A_377 = tpu.vector_load_idx %arg11[%add3A_300, %broadcast_in_dim3A_376] : memref<512x32xf32, #tpu.memory_space<vmem>>[vector<16xi32>, vector<16xi32>], vector<16xf32>,
      %gather3A_378 = tpu.vector_load_idx %arg12[%add3A_300, %broadcast_in_dim3A_376] : memref<512x32xf32, #tpu.memory_space<vmem>>[vector<16xi32>, vector<16xi32>], vector<16xf32>,
      %mul3A_379 = arith.mulf %gather3A_377, %gather3A_378 : vector<16xf32>
      %add3A_380 = arith.addf %add3A_374, %mul3A_379 : vector<16xf32>
      %broadcast_in_dim3A_381 = arith.constant 13 : i32
      %broadcast_in_dim3A_382 = vector.broadcast %broadcast_in_dim3A_381 : i32 to vector<16xi32>
      %gather3A_383 = tpu.vector_load_idx %arg11[%add3A_300, %broadcast_in_dim3A_382] : memref<512x32xf32, #tpu.memory_space<vmem>>[vector<16xi32>, vector<16xi32>], vector<16xf32>,
      %gather3A_384 = tpu.vector_load_idx %arg12[%add3A_300, %broadcast_in_dim3A_382] : memref<512x32xf32, #tpu.memory_space<vmem>>[vector<16xi32>, vector<16xi32>], vector<16xf32>,
      %mul3A_385 = arith.mulf %gather3A_383, %gather3A_384 : vector<16xf32>
      %add3A_386 = arith.addf %add3A_380, %mul3A_385 : vector<16xf32>
      %broadcast_in_dim3A_387 = arith.constant 14 : i32
      %broadcast_in_dim3A_388 = vector.broadcast %broadcast_in_dim3A_387 : i32 to vector<16xi32>
      %gather3A_389 = tpu.vector_load_idx %arg11[%add3A_300, %broadcast_in_dim3A_388] : memref<512x32xf32, #tpu.memory_space<vmem>>[vector<16xi32>, vector<16xi32>], vector<16xf32>,
      %gather3A_390 = tpu.vector_load_idx %arg12[%add3A_300, %broadcast_in_dim3A_388] : memref<512x32xf32, #tpu.memory_space<vmem>>[vector<16xi32>, vector<16xi32>], vector<16xf32>,
      %mul3A_391 = arith.mulf %gather3A_389, %gather3A_390 : vector<16xf32>
      %add3A_392 = arith.addf %add3A_386, %mul3A_391 : vector<16xf32>
      %broadcast_in_dim3A_393 = arith.constant 15 : i32
      %broadcast_in_dim3A_394 = vector.broadcast %broadcast_in_dim3A_393 : i32 to vector<16xi32>
      %gather3A_395 = tpu.vector_load_idx %arg11[%add3A_300, %broadcast_in_dim3A_394] : memref<512x32xf32, #tpu.memory_space<vmem>>[vector<16xi32>, vector<16xi32>], vector<16xf32>,
      %gather3A_396 = tpu.vector_load_idx %arg12[%add3A_300, %broadcast_in_dim3A_394] : memref<512x32xf32, #tpu.memory_space<vmem>>[vector<16xi32>, vector<16xi32>], vector<16xf32>,
      %mul3A_397 = arith.mulf %gather3A_395, %gather3A_396 : vector<16xf32>
      %add3A_398 = arith.addf %add3A_392, %mul3A_397 : vector<16xf32>
      %broadcast_in_dim3A_399 = arith.constant 16 : i32
      %broadcast_in_dim3A_400 = vector.broadcast %broadcast_in_dim3A_399 : i32 to vector<16xi32>
      %gather3A_401 = tpu.vector_load_idx %arg11[%add3A_300, %broadcast_in_dim3A_400] : memref<512x32xf32, #tpu.memory_space<vmem>>[vector<16xi32>, vector<16xi32>], vector<16xf32>,
      %gather3A_402 = tpu.vector_load_idx %arg12[%add3A_300, %broadcast_in_dim3A_400] : memref<512x32xf32, #tpu.memory_space<vmem>>[vector<16xi32>, vector<16xi32>], vector<16xf32>,
      %mul3A_403 = arith.mulf %gather3A_401, %gather3A_402 : vector<16xf32>
      %add3A_404 = arith.addf %add3A_398, %mul3A_403 : vector<16xf32>
      %broadcast_in_dim3A_405 = arith.constant 17 : i32
      %broadcast_in_dim3A_406 = vector.broadcast %broadcast_in_dim3A_405 : i32 to vector<16xi32>
      %gather3A_407 = tpu.vector_load_idx %arg11[%add3A_300, %broadcast_in_dim3A_406] : memref<512x32xf32, #tpu.memory_space<vmem>>[vector<16xi32>, vector<16xi32>], vector<16xf32>,
      %gather3A_408 = tpu.vector_load_idx %arg12[%add3A_300, %broadcast_in_dim3A_406] : memref<512x32xf32, #tpu.memory_space<vmem>>[vector<16xi32>, vector<16xi32>], vector<16xf32>,
      %mul3A_409 = arith.mulf %gather3A_407, %gather3A_408 : vector<16xf32>
      %add3A_410 = arith.addf %add3A_404, %mul3A_409 : vector<16xf32>
      %broadcast_in_dim3A_411 = arith.constant 18 : i32
      %broadcast_in_dim3A_412 = vector.broadcast %broadcast_in_dim3A_411 : i32 to vector<16xi32>
      %gather3A_413 = tpu.vector_load_idx %arg11[%add3A_300, %broadcast_in_dim3A_412] : memref<512x32xf32, #tpu.memory_space<vmem>>[vector<16xi32>, vector<16xi32>], vector<16xf32>,
      %gather3A_414 = tpu.vector_load_idx %arg12[%add3A_300, %broadcast_in_dim3A_412] : memref<512x32xf32, #tpu.memory_space<vmem>>[vector<16xi32>, vector<16xi32>], vector<16xf32>,
      %mul3A_415 = arith.mulf %gather3A_413, %gather3A_414 : vector<16xf32>
      %add3A_416 = arith.addf %add3A_410, %mul3A_415 : vector<16xf32>
      %broadcast_in_dim3A_417 = arith.constant 19 : i32
      %broadcast_in_dim3A_418 = vector.broadcast %broadcast_in_dim3A_417 : i32 to vector<16xi32>
      %gather3A_419 = tpu.vector_load_idx %arg11[%add3A_300, %broadcast_in_dim3A_418] : memref<512x32xf32, #tpu.memory_space<vmem>>[vector<16xi32>, vector<16xi32>], vector<16xf32>,
      %gather3A_420 = tpu.vector_load_idx %arg12[%add3A_300, %broadcast_in_dim3A_418] : memref<512x32xf32, #tpu.memory_space<vmem>>[vector<16xi32>, vector<16xi32>], vector<16xf32>,
      %mul3A_421 = arith.mulf %gather3A_419, %gather3A_420 : vector<16xf32>
      %add3A_422 = arith.addf %add3A_416, %mul3A_421 : vector<16xf32>
      %broadcast_in_dim3A_423 = arith.constant 20 : i32
      %broadcast_in_dim3A_424 = vector.broadcast %broadcast_in_dim3A_423 : i32 to vector<16xi32>
      %gather3A_425 = tpu.vector_load_idx %arg11[%add3A_300, %broadcast_in_dim3A_424] : memref<512x32xf32, #tpu.memory_space<vmem>>[vector<16xi32>, vector<16xi32>], vector<16xf32>,
      %gather3A_426 = tpu.vector_load_idx %arg12[%add3A_300, %broadcast_in_dim3A_424] : memref<512x32xf32, #tpu.memory_space<vmem>>[vector<16xi32>, vector<16xi32>], vector<16xf32>,
      %mul3A_427 = arith.mulf %gather3A_425, %gather3A_426 : vector<16xf32>
      %add3A_428 = arith.addf %add3A_422, %mul3A_427 : vector<16xf32>
      %broadcast_in_dim3A_429 = arith.constant 21 : i32
      %broadcast_in_dim3A_430 = vector.broadcast %broadcast_in_dim3A_429 : i32 to vector<16xi32>
      %gather3A_431 = tpu.vector_load_idx %arg11[%add3A_300, %broadcast_in_dim3A_430] : memref<512x32xf32, #tpu.memory_space<vmem>>[vector<16xi32>, vector<16xi32>], vector<16xf32>,
      %gather3A_432 = tpu.vector_load_idx %arg12[%add3A_300, %broadcast_in_dim3A_430] : memref<512x32xf32, #tpu.memory_space<vmem>>[vector<16xi32>, vector<16xi32>], vector<16xf32>,
      %mul3A_433 = arith.mulf %gather3A_431, %gather3A_432 : vector<16xf32>
      %add3A_434 = arith.addf %add3A_428, %mul3A_433 : vector<16xf32>
      %broadcast_in_dim3A_435 = arith.constant 22 : i32
      %broadcast_in_dim3A_436 = vector.broadcast %broadcast_in_dim3A_435 : i32 to vector<16xi32>
      %gather3A_437 = tpu.vector_load_idx %arg11[%add3A_300, %broadcast_in_dim3A_436] : memref<512x32xf32, #tpu.memory_space<vmem>>[vector<16xi32>, vector<16xi32>], vector<16xf32>,
      %gather3A_438 = tpu.vector_load_idx %arg12[%add3A_300, %broadcast_in_dim3A_436] : memref<512x32xf32, #tpu.memory_space<vmem>>[vector<16xi32>, vector<16xi32>], vector<16xf32>,
      %mul3A_439 = arith.mulf %gather3A_437, %gather3A_438 : vector<16xf32>
      %add3A_440 = arith.addf %add3A_434, %mul3A_439 : vector<16xf32>
      %broadcast_in_dim3A_441 = arith.constant 23 : i32
      %broadcast_in_dim3A_442 = vector.broadcast %broadcast_in_dim3A_441 : i32 to vector<16xi32>
      %gather3A_443 = tpu.vector_load_idx %arg11[%add3A_300, %broadcast_in_dim3A_442] : memref<512x32xf32, #tpu.memory_space<vmem>>[vector<16xi32>, vector<16xi32>], vector<16xf32>,
      %gather3A_444 = tpu.vector_load_idx %arg12[%add3A_300, %broadcast_in_dim3A_442] : memref<512x32xf32, #tpu.memory_space<vmem>>[vector<16xi32>, vector<16xi32>], vector<16xf32>,
      %mul3A_445 = arith.mulf %gather3A_443, %gather3A_444 : vector<16xf32>
      %add3A_446 = arith.addf %add3A_440, %mul3A_445 : vector<16xf32>
      %broadcast_in_dim3A_447 = arith.constant 24 : i32
      %broadcast_in_dim3A_448 = vector.broadcast %broadcast_in_dim3A_447 : i32 to vector<16xi32>
      %gather3A_449 = tpu.vector_load_idx %arg11[%add3A_300, %broadcast_in_dim3A_448] : memref<512x32xf32, #tpu.memory_space<vmem>>[vector<16xi32>, vector<16xi32>], vector<16xf32>,
      %gather3A_450 = tpu.vector_load_idx %arg12[%add3A_300, %broadcast_in_dim3A_448] : memref<512x32xf32, #tpu.memory_space<vmem>>[vector<16xi32>, vector<16xi32>], vector<16xf32>,
      %mul3A_451 = arith.mulf %gather3A_449, %gather3A_450 : vector<16xf32>
      %add3A_452 = arith.addf %add3A_446, %mul3A_451 : vector<16xf32>
      %broadcast_in_dim3A_453 = arith.constant 25 : i32
      %broadcast_in_dim3A_454 = vector.broadcast %broadcast_in_dim3A_453 : i32 to vector<16xi32>
      %gather3A_455 = tpu.vector_load_idx %arg11[%add3A_300, %broadcast_in_dim3A_454] : memref<512x32xf32, #tpu.memory_space<vmem>>[vector<16xi32>, vector<16xi32>], vector<16xf32>,
      %gather3A_456 = tpu.vector_load_idx %arg12[%add3A_300, %broadcast_in_dim3A_454] : memref<512x32xf32, #tpu.memory_space<vmem>>[vector<16xi32>, vector<16xi32>], vector<16xf32>,
      %mul3A_457 = arith.mulf %gather3A_455, %gather3A_456 : vector<16xf32>
      %add3A_458 = arith.addf %add3A_452, %mul3A_457 : vector<16xf32>
      %broadcast_in_dim3A_459 = arith.constant 26 : i32
      %broadcast_in_dim3A_460 = vector.broadcast %broadcast_in_dim3A_459 : i32 to vector<16xi32>
      %gather3A_461 = tpu.vector_load_idx %arg11[%add3A_300, %broadcast_in_dim3A_460] : memref<512x32xf32, #tpu.memory_space<vmem>>[vector<16xi32>, vector<16xi32>], vector<16xf32>,
      %gather3A_462 = tpu.vector_load_idx %arg12[%add3A_300, %broadcast_in_dim3A_460] : memref<512x32xf32, #tpu.memory_space<vmem>>[vector<16xi32>, vector<16xi32>], vector<16xf32>,
      %mul3A_463 = arith.mulf %gather3A_461, %gather3A_462 : vector<16xf32>
      %add3A_464 = arith.addf %add3A_458, %mul3A_463 : vector<16xf32>
      %broadcast_in_dim3A_465 = arith.constant 27 : i32
      %broadcast_in_dim3A_466 = vector.broadcast %broadcast_in_dim3A_465 : i32 to vector<16xi32>
      %gather3A_467 = tpu.vector_load_idx %arg11[%add3A_300, %broadcast_in_dim3A_466] : memref<512x32xf32, #tpu.memory_space<vmem>>[vector<16xi32>, vector<16xi32>], vector<16xf32>,
      %gather3A_468 = tpu.vector_load_idx %arg12[%add3A_300, %broadcast_in_dim3A_466] : memref<512x32xf32, #tpu.memory_space<vmem>>[vector<16xi32>, vector<16xi32>], vector<16xf32>,
      %mul3A_469 = arith.mulf %gather3A_467, %gather3A_468 : vector<16xf32>
      %add3A_470 = arith.addf %add3A_464, %mul3A_469 : vector<16xf32>
      %broadcast_in_dim3A_471 = arith.constant 28 : i32
      %broadcast_in_dim3A_472 = vector.broadcast %broadcast_in_dim3A_471 : i32 to vector<16xi32>
      %gather3A_473 = tpu.vector_load_idx %arg11[%add3A_300, %broadcast_in_dim3A_472] : memref<512x32xf32, #tpu.memory_space<vmem>>[vector<16xi32>, vector<16xi32>], vector<16xf32>,
      %gather3A_474 = tpu.vector_load_idx %arg12[%add3A_300, %broadcast_in_dim3A_472] : memref<512x32xf32, #tpu.memory_space<vmem>>[vector<16xi32>, vector<16xi32>], vector<16xf32>,
      %mul3A_475 = arith.mulf %gather3A_473, %gather3A_474 : vector<16xf32>
      %add3A_476 = arith.addf %add3A_470, %mul3A_475 : vector<16xf32>
      %broadcast_in_dim3A_477 = arith.constant 29 : i32
      %broadcast_in_dim3A_478 = vector.broadcast %broadcast_in_dim3A_477 : i32 to vector<16xi32>
      %gather3A_479 = tpu.vector_load_idx %arg11[%add3A_300, %broadcast_in_dim3A_478] : memref<512x32xf32, #tpu.memory_space<vmem>>[vector<16xi32>, vector<16xi32>], vector<16xf32>,
      %gather3A_480 = tpu.vector_load_idx %arg12[%add3A_300, %broadcast_in_dim3A_478] : memref<512x32xf32, #tpu.memory_space<vmem>>[vector<16xi32>, vector<16xi32>], vector<16xf32>,
      %mul3A_481 = arith.mulf %gather3A_479, %gather3A_480 : vector<16xf32>
      %add3A_482 = arith.addf %add3A_476, %mul3A_481 : vector<16xf32>
      %broadcast_in_dim3A_483 = arith.constant 30 : i32
      %broadcast_in_dim3A_484 = vector.broadcast %broadcast_in_dim3A_483 : i32 to vector<16xi32>
      %gather3A_485 = tpu.vector_load_idx %arg11[%add3A_300, %broadcast_in_dim3A_484] : memref<512x32xf32, #tpu.memory_space<vmem>>[vector<16xi32>, vector<16xi32>], vector<16xf32>,
      %gather3A_486 = tpu.vector_load_idx %arg12[%add3A_300, %broadcast_in_dim3A_484] : memref<512x32xf32, #tpu.memory_space<vmem>>[vector<16xi32>, vector<16xi32>], vector<16xf32>,
      %mul3A_487 = arith.mulf %gather3A_485, %gather3A_486 : vector<16xf32>
      %add3A_488 = arith.addf %add3A_482, %mul3A_487 : vector<16xf32>
      %broadcast_in_dim3A_489 = arith.constant 31 : i32
      %broadcast_in_dim3A_490 = vector.broadcast %broadcast_in_dim3A_489 : i32 to vector<16xi32>
      %gather3A_491 = tpu.vector_load_idx %arg11[%add3A_300, %broadcast_in_dim3A_490] : memref<512x32xf32, #tpu.memory_space<vmem>>[vector<16xi32>, vector<16xi32>], vector<16xf32>,
      %gather3A_492 = tpu.vector_load_idx %arg12[%add3A_300, %broadcast_in_dim3A_490] : memref<512x32xf32, #tpu.memory_space<vmem>>[vector<16xi32>, vector<16xi32>], vector<16xf32>,
      %mul3A_493 = arith.mulf %gather3A_491, %gather3A_492 : vector<16xf32>
      %add3A_494 = arith.addf %add3A_488, %mul3A_493 : vector<16xf32>
      %swap3A = arith.index_cast %mul3A_296 : i32 to index
      %swap3A_495 = tpu.vector_load %arg15[%swap3A] {strides = array<i32>} : memref<512xf32, #tpu.memory_space<vmem>>, vector<16xf32>,
      tpu.vector_store %arg15[%swap3A], %add3A_494 {strides = array<i32>} : memref<512xf32, #tpu.memory_space<vmem>>, vector<16xf32>,
    }
    %scan3A_293 = arith.constant 32 : i32
    "tpu.region"() ({
      %run_scoped3A = tpu.sem_alloc : memref<!tpu.dma_semaphore, #tpu.memory_space<semaphore_mem>>
      %dma_start3A_294 = tpu.memref_slice %arg8[%mul3A_2] : memref<16384xf32, #tpu.memory_space<hbm>> -> memref<512xf32, #tpu.memory_space<hbm>>
      %dma_start3A_295 = tpu.memref_slice %arg8[%mul3A_2] : memref<16384xf32, #tpu.memory_space<hbm>> -> memref<512xf32, #tpu.memory_space<hbm>>
      tpu.enqueue_dma source(%arg15 : memref<512xf32, #tpu.memory_space<vmem>>) target(%dma_start3A_295 : memref<512xf32, #tpu.memory_space<hbm>>) target_semaphore(%run_scoped3A : memref<!tpu.dma_semaphore, #tpu.memory_space<semaphore_mem>>)
      %dma_wait3A_296 = tpu.memref_slice %arg8[%mul3A_2] : memref<16384xf32, #tpu.memory_space<hbm>> -> memref<512xf32, #tpu.memory_space<hbm>>
      %dma_wait3A_297 = tpu.memref_slice %arg8[%mul3A_2] : memref<16384xf32, #tpu.memory_space<hbm>> -> memref<512xf32, #tpu.memory_space<hbm>>
      tpu.wait_dma2 semaphore(%run_scoped3A : memref<!tpu.dma_semaphore, #tpu.memory_space<semaphore_mem>>) src(%arg15 : memref<512xf32, #tpu.memory_space<vmem>>) dst(%dma_wait3A_297 : memref<512xf32, #tpu.memory_space<hbm>>)
      tpu.yield
    }) : () -> ()
    return
  }
}

</mosaic_0001>

<sc_bundles>
// kernel: kernel.3.cloned.1.call-start
scs
__scs_entry_jumppad:
0x0: {  	(pc) =	sbr.rel $0x88, $3  }
0x1: {  	(tag) =	ssettag $0x0;
	lr =	simm.s32 $0x1  }
0x2: {  	[smem:$0x3F9B] =	sst lr;
	_ =	strace $0xD0000000  }
0x3: {  	_ = 	snop  }
0x4: {  	_ = 	snop  }
0x5: {  	_ = 	snop  }
0x6: {  	_ = 	snop  }
0x7: {  	_ = 	snop  }
__scs_overlays_trampoline_lowered:
0x8: {  	[smem:$0x3FAA] =	sst s0  }
0x9: {  	[smem:$0x3FAB] =	sst s1  }
0xa: {  	[smem:$0x3FAC] =	sst s2  }
0xb: {  	[smem:$0x3FAD] =	sst s3  }
0xc: {  	[smem:$0x3FAE] =	sst s4  }
0xd: {  	[smem:$0x3FAF] =	sst s5  }
0xe: {  	[smem:$0x3FB0] =	sst s6  }
0xf: {  	[smem:$0x3FB1] =	sst s7  }
0x10: {  	[smem:$0x3FB2] =	sst s8  }
0x11: {  	[smem:$0x3FB3] =	sst s9;
	s0 =	simm.s32 @!p0 $0x0  }
0x12: {  	s1 =	sld [smem:$0x3F99];
	s0 =	simm.s32 @p0 $0x1  }
0x13: {  	[smem:$0x3FB4] =	sst s0;
	s0 =	simm.s32 @!p1 $0x0  }
0x14: {  	s2 =	sld [smem:$0x3F98];
	s0 =	simm.s32 @p1 $0x1  }
0x15: {  	[smem:$0x3FB5] =	sst s0;
	s0 =	simm.s32 @!p2 $0x0  }
0x16: {  	s3 =	sld [smem:$0x3FDB];
	s0 =	simm.s32 @p2 $0x1  }
0x17: {  	s4 =	simm.s32 $0x1BF5;
	[smem:$0x3FB7] =	sst s0  }
0x18: {  	s0 =	sld [smem:$0x3F9A];
	_ =	swait.ge [sflag:s4], $0x0  }
0x19: {  	s7 =	sld [smem:$0x3F9B]  }
0x1a: {  	s8 =	sadd.s32 $0xFFFFE003, lr  }
0x1b: {  	s9 =	sadd.s32 $0xFFFFFEF7, lr;
	s5 =	simm.s32 $0xFFFFFFFF;
	p2 =	slt.u32 s8, $0xFFFFF086  }
0x1c: {  	p1 =	slt.u32 s9, $0xF7A;
	s5 =	simm.s32 @!p2 $0x0  }
0x1d: {  	s5 =	simm.s32 @p1 $0x1;
	p0 =	seq.s32 s7, s2  }
0x1e: {  	s7 =	smul.u32 @!p0 $0xF7A, s2;
	p2 =	seq.s32 @!p0 s5, $0x0  }
0x1f: {  	s9 =	smul.u32 $0xF7A, s1;
	s8 =	simm.s32 @!p0 $0x1BF5;
	p2 =	por !p2, p0  }
0x20: {  	[sflag:s8] =	ssyncset.s32 @!p0 $0xFFFFF086;
	s6 =	sadd.s32 @!p0 s3, s7;
	s7 =	simm.s32 @!p0 $0x108  }
0x21: {  	s3 =	sadd.s32 s3, s9;
	s6 =	sadd.s32 @!p0 $0x88, s6;
	s7 =	simm.s32 @p2 $0x1082  }
0x22: {  	[simem:s7], [sflag:s8] =	dma.local @!p0 [hbm:s6], $0xF7A  }
0x23: {  	s9 =	sor.u32 $0xD0000000, s2;
	s6 =	simm.s32 $0x108;
	_ =	swait.ge @!p0 [sflag:s8], $0x0  }
0x24: {  	s3 =	sadd.s32 $0x88, s3;
	s6 =	simm.s32 @!p1 $0x1082;
	[sflag:s4] =	ssyncset.s32 $0xFFFFF086  }
0x25: {  	[simem:s6], [sflag:s4] =	dma.local [hbm:s3], $0xF7A  }
0x26: {  	[smem:$0x3F9B] =	sst s1;
	(tag) =	ssettag s2;
	_ =	strace s9  }
0x27: {  	s1 =	sld [smem:$0x3FAB]  }
0x28: {  	s2 =	sld [smem:$0x3FAC]  }
0x29: {  	s4 =	sld [smem:$0x3FAE]  }
0x2a: {  	p0 =	seq.s32 s5, $0x0;
	s5 =	sld [smem:$0x3FAF]  }
0x2b: {  	s6 =	sld [smem:$0x3FB0]  }
0x2c: {  	s7 =	sld [smem:$0x3FB1]  }
0x2d: {  	s3 =	simm.s32 $0x108;
	s8 =	sld [smem:$0x3FB2]  }
0x2e: {  	s3 =	simm.s32 @!p0 $0x1082;
	s9 =	sld [smem:$0x3FB3]  }
0x2f: {  	lr =	sadd.s32 s0, s3;
	s0 =	sld [smem:$0x3FAA]  }
0x30: {  	s3 =	sld [smem:$0x3FAD]  }
0x31: {  	[smem:$0x3FB6] =	sst s10  }
0x32: {  	s10 =	sld [smem:$0x3FB4];
	_ =	sdelay $0x3  }
0x33: {  	p0 =	seq.s32 s10, $0x1;
	s10 =	sld [smem:$0x3FB6];
	_ =	sdelay $0x3  }
0x34: {  	[smem:$0x3FB6] =	sst s10  }
0x35: {  	s10 =	sld [smem:$0x3FB5];
	_ =	sdelay $0x3  }
0x36: {  	p1 =	seq.s32 s10, $0x1;
	s10 =	sld [smem:$0x3FB6];
	_ =	sdelay $0x3  }
0x37: {  	[smem:$0x3FB6] =	sst s10  }
0x38: {  	s10 =	sld [smem:$0x3FB7]  }
0x39: {  	_ = 	snop;
	(pc) =	sbr.ind lr, $3  }
0x3a: {  	_ = 	snop  }
0x3b: {  	_ = 	snop  }
0x3c: {  	p2 =	seq.s32 s10, $0x1;
	s10 =	sld [smem:$0x3FB6]  }
0x3d: {  	_ =	shalt  }
0x3e: {  	_ =	shalt  }
0x3f: {  	_ =	shalt  }
0x40: {  	_ =	shalt  }
0x41: {  	_ =	shalt  }
0x42: {  	_ =	shalt  }
0x43: {  	_ =	shalt  }
0x44: {  	_ =	shalt  }
0x45: {  	_ =	shalt  }
0x46: {  	_ =	shalt  }
0x47: {  	_ =	shalt  }
0x48: {  	_ =	shalt  }
0x49: {  	_ =	shalt  }
0x4a: {  	_ =	shalt  }
0x4b: {  	_ =	shalt  }
0x4c: {  	_ =	shalt  }
0x4d: {  	_ =	shalt  }
0x4e: {  	_ =	shalt  }
0x4f: {  	_ =	shalt  }
0x50: {  	_ =	shalt  }
0x51: {  	_ =	shalt  }
0x52: {  	_ =	shalt  }
0x53: {  	_ =	shalt  }
0x54: {  	_ =	shalt  }
0x55: {  	_ =	shalt  }
0x56: {  	_ =	shalt  }
0x57: {  	_ =	shalt  }
0x58: {  	_ =	shalt  }
0x59: {  	_ =	shalt  }
0x5a: {  	_ =	shalt  }
0x5b: {  	_ =	shalt  }
0x5c: {  	_ =	shalt  }
0x5d: {  	_ =	shalt  }
0x5e: {  	_ =	shalt  }
0x5f: {  	_ =	shalt  }
0x60: {  	_ =	shalt  }
0x61: {  	_ =	shalt  }
0x62: {  	_ =	shalt  }
0x63: {  	_ =	shalt  }
0x64: {  	_ =	shalt  }
0x65: {  	_ =	shalt  }
0x66: {  	_ =	shalt  }
0x67: {  	_ =	shalt  }
0x68: {  	_ =	shalt  }
0x69: {  	_ =	shalt  }
0x6a: {  	_ =	shalt  }
0x6b: {  	_ =	shalt  }
0x6c: {  	_ =	shalt  }
0x6d: {  	_ =	shalt  }
0x6e: {  	_ =	shalt  }
0x6f: {  	_ =	shalt  }
0x70: {  	_ =	shalt  }
0x71: {  	_ =	shalt  }
0x72: {  	_ =	shalt  }
0x73: {  	_ =	shalt  }
0x74: {  	_ =	shalt  }
0x75: {  	_ =	shalt  }
0x76: {  	_ =	shalt  }
0x77: {  	_ =	shalt  }
0x78: {  	_ =	shalt  }
0x79: {  	_ =	shalt  }
0x7a: {  	_ =	shalt  }
0x7b: {  	_ =	shalt  }
0x7c: {  	_ =	shalt  }
0x7d: {  	_ =	shalt  }
0x7e: {  	_ =	shalt  }
0x7f: {  	_ =	shalt  }
0x80: {  	_ =	shalt  }
0x81: {  	_ =	shalt  }
0x82: {  	_ =	shalt  }
0x83: {  	_ =	shalt  }
0x84: {  	_ =	shalt  }
0x85: {  	_ =	shalt  }
0x86: {  	_ =	shalt  }
0x87: {  	_ =	shalt  }
.Lfunc_end0:
.L_simem_size_0:
called_computation_lowered:
.L_overlay_start_0:
0x88: {  	s2 =	sld [smem:$0x3FD9]  }
0x89: {  	s3 =	sld [smem:$0x3FFE];
	_ =	sdelay $0x1  }
0x8a: {  	s1 =	srdreg.scid  }
0x8b: {  	s0 =	sand.u32 $0x1, s1  }
0x8c: {  	s17 =	sshll.u32 s0, $0xA;
	s2 =	sadd.s32 s3, s2  }
0x8d: {  	s2 =	sadd.s32 s2, s17  }
0x8e: {  	[smem:$0x3FC2] =	sst s2  }
0x8f: {  	_ = 	snop  }
0x90: {  	s2 =	sld [smem:$0x3FD0];
	(tm) =	ssettm $0x1  }
0x91: {  	s18 =	sld [smem:$0x3FFB];
	_ =	sdelay $0x3  }
0x92: {  	_ =	strace s18  }
0x93: {  	s3 =	sld [smem:$0x3FFC];
	_ =	sdelay $0x3  }
0x94: {  	_ =	strace s3  }
0x95: {  	s3 =	sld [smem:$0x3FFD];
	_ =	sdelay $0x3  }
0x96: {  	_ =	strace s3  }
0x97: {  	_ =	strace $0x8FFFFFFF  }
0x98: {  	s19 =	sld [smem:$0x3FDB];
	_ =	sdelay $0x1  }
0x99: {  	s4 =	simm.s32 $_scs_section_size  }
0x9a: {  	s5 =	simm.s32 $_size__tile_overlayer_lowered;
	s6 =	simm.s32 $_tile_overlayer_lowered  }
0x9b: {  	s22 =	simm.s32 $0x1BFF;
	s21 =	sshll.u32 s6, $0x1;
	s3 =	sadd.s32 s4, s19  }
0x9c: {  	s7 =	simm.s32 $0x0;
	s20 =	sshll.u32 s5, $0x1;
	s5 =	sadd.s32 s21, s3  }
0x9d: {  	[timem:s7], [sflag:s22] =	dma.local [hbm:s5], s20  }
0x9e: {  	_ =	swait.ge [sflag:s22], s20  }
0x9f: {  	s4 =	ssub.s32 $0x0, s20;
	[sflag:s22] =	ssyncset.done $0x0  }
0xa0: {  	[sflag:s22] =	ssyncadd.s32 s4;
	_ =	sdelay $0x1  }
0xa1: {  	s23 =	simm.s32 $0x1B8B  }
0xa2: {  	_ =	swait.ge [sflag:s23], $0x1  }
0xa3: {  	[sflag:s23] =	ssyncset.done $0x0  }
0xa4: {  	s25 =	simm.s32 $0x1B8E;
	s24 =	sld [smem:$0x3FFE];
	[sflag:s23] =	ssyncadd.s32 $0xFFFFFFFF  }
0xa5: {  	s26 =	simm.s32 $execute0_lowered;
	[smem:$0x3FD2] =	sst s25  }
0xa6: {  	s5 =	sshll.u32 s26, $0x1;
	_ =	strace $0x80000046;
	[dreg:$0x1] =	wrdreg $0xFFFFFFFF  }
0xa7: {  	s28 =	simm.s32 $_size_execute0_lowered;
	s3 =	sadd.s32 s3, s5;
	[dreg:$0x0] =	wrdreg $0x0  }
0xa8: {  	s5 =	sshll.u32 s28, $0x1;
	[dreg:$0x2] =	wrdreg s3  }
0xa9: {  	[dreg:$0x3] =	wrdreg s5  }
0xaa: {  	[dreg:$0x4] =	wrdreg $0xC0  }
0xab: {  	_ =	task [dreg:s7], $0x5FFFF  }
0xac: {  	[dreg:$0x1] =	wrdreg $0xFFFFFFFF  }
0xad: {  	[dreg:$0x0] =	wrdreg $0x60  }
0xae: {  	[dreg:$0x2] =	wrdreg s24  }
0xaf: {  	[dreg:$0x3] =	wrdreg s2  }
0xb0: {  	[dreg:$0x4] =	wrdreg $0x9  }
0xb1: {  	_ =	task.clear_ibuf [dreg:s7], $0x5FFFF;
	_ =	strace $0x90000046  }
0xb2: {  	s29 =	simm.s32 $0x9;
	_ =	strace $0x80000048  }
0xb3: {  	_ =	swait.ge [sflag:s29], $0x1  }
0xb4: {  	[sflag:s29] =	ssyncadd.s32 $0xFFFFFFFF  }
0xb5: {  	_ =	strace $0x90000048  }
0xb6: {  	_ =	sfence  }
0xb7: {  	s30 =	sld [smem:$0x0];
	_ =	sdelay $0x2  }
0xb8: {  	s31 =	sshll.u32 s1, $0xD;
	s1 =	sshrl.u32 s1, $0x2  }
0xb9: {  	s3 =	sand.u32 $0x4000, s31;
	s1 =	sadd.s32 s1, s30  }
0xba: {  	s0 =	sor.u32 s3, s0;
	s1 =	sshll.u32 s1, $0x11  }
0xbb: {  	s0 =	sor.u32 s1, s0  }
0xbc: {  	s0 =	sadd.s32 $0x8F2B, s0  }
0xbd: {  	[sflag:s0] =	ssyncadd.remote.s32 $0x1  }
0xbe: {  	_ =	sfence.sel $0xFFFF  }
0xbf: {  	[dreg:$0x0] =	wrdreg $0xFFFFFFFF;
	(pc) =	sbr.abs _section_cstart, $3  }
0xc0: {  	[dreg:$0x1] =	wrdreg $0xFFFFFFFF  }
0xc1: {  	_ =	task.clear_ibuf [dreg:s7], $0x2FFFF;
	_ =	strace $0x9FFFFFFF  }
0xc2: {  	(tm) =	ssettm $0x7FFFFFFF  }
0xc3: {  	_ =	shalt  }
tec
execute0_lowered:
.L_overlay_start_1:
0x0: {  	(tag) =	ssettag $0x1  }
0x1: {  	s0 =	rddreg [dreg:$0x0]  }
0x2: {  	s1 =	rddreg [dreg:$0x1]  }
0x3: {  	s2 =	srdreg.scid;
	s3 =	stileid.u32;
	s11 =	simm.s32 $0x2  }
0x4: {  	s12 =	simm.s32 $0x200;
	s13 =	simm.s32 $0x80;
	s14 =	simm.s32 $0x400  }
0x5: {  	s15 =	simm.s32 $0x4400;
	s17 =	simm.s32 $0x280;
	s21 =	simm.s32 $0x100  }
0x6: {  	s23 =	simm.s32 $0x300;
	s28 =	simm.s32 $0x180;
	s29 =	simm.s32 $0x3400  }
0x7: {  	s30 =	simm.s32 $0x380;
	s31 =	simm.s32 $0x7400;
	s16 =	simm.s32 $0x1  }
0x8: {  	s18 =	simm.s32 $0x8800;
	s19 =	simm.s32 $0x0;
	s5 =	sand.u32 $0x1, s2  }
0x9: {  	s2 =	simm.s32 $0x0;
	s3 =	sshll.u32 s3, $0x7;
	s6 =	sadd.s32 $0x200, s0  }
0xa: {  	s4 =	sshll.u32 s5, $0x6;
	[smem:$0x7FF] =	sst s2;
	s7 =	ssub.s32 $0x2, s5  }
0xb: {  	s5 =	sadd.s32 $0x1EC00, s0;
	s9 =	sor.u32 s4, s3;
	_ =	strace $0x80000047  }
0xc: {  	s3 =	sadd.s32 $0x1313000, s0;
	s4 =	sadd.s32 $0xF42600, s0;
	s26 =	sshrl.u32 s7, $0x1  }
0xd: {  	s8 =	sadd.s32 s9, s0;
	s0 =	ssub.s32 s7, s26;
	s9 =	sadd.s32 s1, s9  }
0xe: {  	v0 =	vlaneseq.u32;
	s26 =	simm.s32 $0x8700;
	s1 =	simm.s32 $0x8780;
	s7 =	sadd.s32 $0x3DE00, s8  }
0xf: {  	v0 =	vmul.u32 $0x20, v0;
	s8 =	sadd.s32 $0x3D600, s8;
	s10 =	smax.u32 s0, $0x1;
	s0 =	simm.s32 $0x8580  }
.LBB2_1:
0x10: {  	[tilespmem:s2], [sflag:$0x2] =	stream.linear.gather [hbm4b:s7+s2], $0x200, $0x38;
	[tilespmem:$0x8A00] =	vst v63  }
0x11: {  	_ =	swait.ge [sflag:s11], $0x200  }
0x12: {  	[sflag:s11] =	ssyncset.done $0x0  }
0x13: {  	[sflag:s11] =	ssyncadd.s32 $0xFFFFFE00  }
0x14: {  	[tilespmem:s12], [sflag:$0x2] =	stream.linear.gather [hbm4b:s8+s2], $0x200, $0x38;
	[tilespmem:$0x8A00] =	vst v63  }
0x15: {  	_ =	swait.ge [sflag:s11], $0x200  }
0x16: {  	[sflag:s11] =	ssyncset.done $0x0  }
0x17: {  	[sflag:s11] =	ssyncadd.s32 $0xFFFFFE00  }
0x18: {  	[tilespmem:s14], [sflag:$0x1] =	stream.indirect.gather [hbm4b:s3+s13], $0x20, s2, s13, $0xb8;
	[tilespmem:$0x8A00] =	vst v63  }
0x19: {  	_ = 	snop  }
0x1a: {  	[tilespmem:s15], [sflag:$0x1] =	stream.indirect.gather [hbm4b:s4+s13], $0x20, s12, s13, $0xb8;
	[tilespmem:$0x8A00] =	vst v63  }
0x1b: {  	s20 =	simm.s32 $0x8400  }
0x1c: {  	[tilespmem:s20], [sflag:$0x1] =	stream.indirect.gather [hbm4b:s5+s13], $0x1, s2, s13, $0xb8;
	[tilespmem:$0x8A00] =	vst v63  }
0x1d: {  	s22 =	simm.s32 $0x8600  }
0x1e: {  	[tilespmem:s22], [sflag:$0x1] =	stream.indirect.gather [hbm4b:s6+s13], $0x1, s12, s13, $0xb8;
	[tilespmem:$0x8A00] =	vst v63  }
0x1f: {  	s24 =	simm.s32 $0x1400  }
0x20: {  	[tilespmem:s24], [sflag:$0x1] =	stream.indirect.gather [hbm4b:s3+s13], $0x20, s13, s13, $0xb8;
	[tilespmem:$0x8A00] =	vst v63  }
0x21: {  	s25 =	simm.s32 $0x5400  }
0x22: {  	[tilespmem:s25], [sflag:$0x1] =	stream.indirect.gather [hbm4b:s4+s13], $0x20, s17, s13, $0xb8;
	[tilespmem:$0x8A00] =	vst v63  }
0x23: {  	s25 =	simm.s32 $0x8480  }
0x24: {  	[tilespmem:s25], [sflag:$0x1] =	stream.indirect.gather [hbm4b:s5+s13], $0x1, s13, s13, $0xb8;
	[tilespmem:$0x8A00] =	vst v63  }
0x25: {  	s25 =	simm.s32 $0x8680  }
0x26: {  	[tilespmem:s25], [sflag:$0x1] =	stream.indirect.gather [hbm4b:s6+s13], $0x1, s17, s13, $0xb8;
	[tilespmem:$0x8A00] =	vst v63  }
0x27: {  	s25 =	simm.s32 $0x2400  }
0x28: {  	[tilespmem:s25], [sflag:$0x1] =	stream.indirect.gather [hbm4b:s3+s13], $0x20, s21, s13, $0xb8;
	[tilespmem:$0x8A00] =	vst v63  }
0x29: {  	s25 =	simm.s32 $0x6400  }
0x2a: {  	[tilespmem:s25], [sflag:$0x1] =	stream.indirect.gather [hbm4b:s4+s13], $0x20, s23, s13, $0xb8;
	[tilespmem:$0x8A00] =	vst v63  }
0x2b: {  	s25 =	simm.s32 $0x8500  }
0x2c: {  	[tilespmem:s25], [sflag:$0x1] =	stream.indirect.gather [hbm4b:s5+s13], $0x1, s21, s13, $0xb8;
	[tilespmem:$0x8A00] =	vst v63  }
0x2d: {  	_ = 	snop  }
0x2e: {  	[tilespmem:s26], [sflag:$0x1] =	stream.indirect.gather [hbm4b:s6+s13], $0x1, s23, s13, $0xb8;
	[tilespmem:$0x8A00] =	vst v63  }
0x2f: {  	_ = 	snop  }
0x30: {  	[tilespmem:s29], [sflag:$0x1] =	stream.indirect.gather [hbm4b:s3+s13], $0x20, s28, s13, $0xb8;
	[tilespmem:$0x8A00] =	vst v63  }
0x31: {  	_ = 	snop  }
0x32: {  	[tilespmem:s31], [sflag:$0x1] =	stream.indirect.gather [hbm4b:s4+s13], $0x20, s30, s13, $0xb8;
	[tilespmem:$0x8A00] =	vst v63  }
0x33: {  	_ = 	snop  }
0x34: {  	[tilespmem:s0], [sflag:$0x1] =	stream.indirect.gather [hbm4b:s5+s13], $0x1, s28, s13, $0xb8;
	[tilespmem:$0x8A00] =	vst v63  }
0x35: {  	_ = 	snop  }
0x36: {  	[tilespmem:s1], [sflag:$0x1] =	stream.indirect.gather [hbm4b:s6+s13], $0x1, s30, s13, $0xb8;
	[tilespmem:$0x8A00] =	vst v63  }
0x37: {  	_ =	swait.ge [sflag:s16], $0x1000  }
0x38: {  	[sflag:s16] =	ssyncset.done $0x0  }
0x39: {  	[sflag:s16] =	ssyncadd.s32 $0xFFFFF000  }
0x3a: {  	_ =	swait.ge [sflag:s16], $0x1000  }
0x3b: {  	[sflag:s16] =	ssyncset.done $0x0  }
0x3c: {  	[sflag:s16] =	ssyncadd.s32 $0xFFFFF000  }
0x3d: {  	_ =	swait.ge [sflag:s16], $0x80  }
0x3e: {  	[sflag:s16] =	ssyncset.done $0x0  }
0x3f: {  	[sflag:s16] =	ssyncadd.s32 $0xFFFFFF80  }
0x40: {  	_ =	swait.ge [sflag:s16], $0x80  }
0x41: {  	[sflag:s16] =	ssyncset.done $0x0  }
0x42: {  	[sflag:s16] =	ssyncadd.s32 $0xFFFFFF80  }
0x43: {  	_ =	swait.ge [sflag:s16], $0x1000  }
0x44: {  	[sflag:s16] =	ssyncset.done $0x0  }
0x45: {  	[sflag:s16] =	ssyncadd.s32 $0xFFFFF000  }
0x46: {  	_ =	swait.ge [sflag:s16], $0x1000  }
0x47: {  	[sflag:s16] =	ssyncset.done $0x0  }
0x48: {  	[sflag:s16] =	ssyncadd.s32 $0xFFFFF000  }
0x49: {  	_ =	swait.ge [sflag:s16], $0x80  }
0x4a: {  	[sflag:s16] =	ssyncset.done $0x0  }
0x4b: {  	[sflag:s16] =	ssyncadd.s32 $0xFFFFFF80  }
0x4c: {  	_ =	swait.ge [sflag:s16], $0x80  }
0x4d: {  	[sflag:s16] =	ssyncset.done $0x0  }
0x4e: {  	[sflag:s16] =	ssyncadd.s32 $0xFFFFFF80  }
0x4f: {  	_ =	swait.ge [sflag:s16], $0x1000  }
0x50: {  	[sflag:s16] =	ssyncset.done $0x0  }
0x51: {  	[sflag:s16] =	ssyncadd.s32 $0xFFFFF000  }
0x52: {  	_ =	swait.ge [sflag:s16], $0x1000  }
0x53: {  	[sflag:s16] =	ssyncset.done $0x0  }
0x54: {  	[sflag:s16] =	ssyncadd.s32 $0xFFFFF000  }
0x55: {  	_ =	swait.ge [sflag:s16], $0x80  }
0x56: {  	[sflag:s16] =	ssyncset.done $0x0  }
0x57: {  	[sflag:s16] =	ssyncadd.s32 $0xFFFFFF80  }
0x58: {  	_ =	swait.ge [sflag:s16], $0x80  }
0x59: {  	[sflag:s16] =	ssyncset.done $0x0  }
0x5a: {  	[sflag:s16] =	ssyncadd.s32 $0xFFFFFF80  }
0x5b: {  	_ =	swait.ge [sflag:s16], $0x1000  }
0x5c: {  	[sflag:s16] =	ssyncset.done $0x0  }
0x5d: {  	[sflag:s16] =	ssyncadd.s32 $0xFFFFF000  }
0x5e: {  	_ =	swait.ge [sflag:s16], $0x1000  }
0x5f: {  	[sflag:s16] =	ssyncset.done $0x0  }
0x60: {  	[sflag:s16] =	ssyncadd.s32 $0xFFFFF000  }
0x61: {  	v1 =	vmov s2;
	_ =	swait.ge [sflag:s16], $0x80  }
0x62: {  	v1 =	vshll.u32 v1, $0x5;
	[sflag:s16] =	ssyncset.done $0x0  }
0x63: {  	v1 =	vor.u32 v0, v1;
	[sflag:s16] =	ssyncadd.s32 $0xFFFFFF80  }
0x64: {  	_ =	swait.ge [sflag:s16], $0x80  }
0x65: {  	[sflag:s16] =	ssyncset.done $0x0  }
0x66: {  	v2 =	vor.u32 $0x1, v1;
	[sflag:s16] =	ssyncadd.s32 $0xFFFFFF80  }
0x67: {  	v3 =	vld [tilespmem:s22+$0x0]  }
0x68: {  	v4 =	vor.u32 $0x2, v1;
	v5 =	vld.idx.msk [tilespmem:v1+s14+$0x0], $0xffff  }
0x69: {  	v6 =	vld.idx.msk [tilespmem:v1+s15+$0x0], $0xffff  }
0x6a: {  	v7 =	vor.u32 $0x3, v1;
	v8 =	vld [tilespmem:s20+$0x0]  }
0x6b: {  	v9 =	vld.idx.msk [tilespmem:v2+s14+$0x0], $0xffff  }
0x6c: {  	v10 =	vor.u32 $0x4, v1;
	v2 =	vld.idx.msk [tilespmem:v2+s15+$0x0], $0xffff  }
0x6d: {  	v11 =	vld.idx.msk [tilespmem:v4+s14+$0x0], $0xffff  }
0x6e: {  	v12 =	vor.u32 $0x5, v1;
	v4 =	vld.idx.msk [tilespmem:v4+s15+$0x0], $0xffff  }
0x6f: {  	v13 =	vld.idx.msk [tilespmem:v7+s14+$0x0], $0xffff;
	v3 =	vadd.f32 v3, v8;
	v5 =	vmul.f32 v6, v5  }
0x70: {  	v6 =	vld.idx.msk [tilespmem:v7+s15+$0x0], $0xffff;
	v7 =	vor.u32 $0x6, v1  }
0x71: {  	v20 =	vld.idx.msk [tilespmem:v10+s14+$0x0], $0xffff;
	v2 =	vmul.f32 v2, v9;
	v3 =	vadd.f32 v5, v3  }
0x72: {  	v21 =	vor.u32 $0x7, v1;
	v5 =	vld.idx.msk [tilespmem:v10+s15+$0x0], $0xffff  }
0x73: {  	v22 =	vld.idx.msk [tilespmem:v12+s14+$0x0], $0xffff;
	v2 =	vadd.f32 v2, v3;
	v3 =	vmul.f32 v4, v11  }
0x74: {  	v23 =	vor.u32 $0x8, v1;
	v4 =	vld.idx.msk [tilespmem:v12+s15+$0x0], $0xffff  }
0x75: {  	v24 =	vld.idx.msk [tilespmem:v7+s14+$0x0], $0xffff;
	v2 =	vadd.f32 v3, v2;
	v3 =	vmul.f32 v6, v13  }
0x76: {  	v6 =	vld.idx.msk [tilespmem:v7+s15+$0x0], $0xffff;
	v7 =	vor.u32 $0x9, v1  }
0x77: {  	v25 =	vld.idx.msk [tilespmem:v21+s14+$0x0], $0xffff;
	v2 =	vadd.f32 v3, v2;
	v3 =	vmul.f32 v5, v20  }
0x78: {  	v26 =	vor.u32 $0xA, v1;
	v5 =	vld.idx.msk [tilespmem:v21+s15+$0x0], $0xffff  }
0x79: {  	v27 =	vld.idx.msk [tilespmem:v23+s14+$0x0], $0xffff;
	v2 =	vadd.f32 v3, v2;
	v3 =	vmul.f32 v4, v22  }
0x7a: {  	v28 =	vor.u32 $0xB, v1;
	v4 =	vld.idx.msk [tilespmem:v23+s15+$0x0], $0xffff  }
0x7b: {  	v29 =	vld.idx.msk [tilespmem:v7+s14+$0x0], $0xffff;
	v2 =	vadd.f32 v3, v2;
	v3 =	vmul.f32 v6, v24  }
0x7c: {  	v6 =	vld.idx.msk [tilespmem:v7+s15+$0x0], $0xffff;
	v7 =	vor.u32 $0xC, v1  }
0x7d: {  	v30 =	vld.idx.msk [tilespmem:v26+s14+$0x0], $0xffff;
	v2 =	vadd.f32 v3, v2;
	v3 =	vmul.f32 v5, v25  }
0x7e: {  	v31 =	vor.u32 $0xD, v1;
	v5 =	vld.idx.msk [tilespmem:v26+s15+$0x0], $0xffff  }
0x7f: {  	v32 =	vld.idx.msk [tilespmem:v28+s14+$0x0], $0xffff;
	v2 =	vadd.f32 v3, v2;
	v3 =	vmul.f32 v4, v27  }
0x80: {  	v33 =	vor.u32 $0xE, v1;
	v4 =	vld.idx.msk [tilespmem:v28+s15+$0x0], $0xffff  }
0x81: {  	v34 =	vld.idx.msk [tilespmem:v7+s14+$0x0], $0xffff;
	v2 =	vadd.f32 v3, v2;
	v3 =	vmul.f32 v6, v29  }
0x82: {  	v6 =	vld.idx.msk [tilespmem:v7+s15+$0x0], $0xffff;
	v7 =	vor.u32 $0xF, v1  }
0x83: {  	v35 =	vld.idx.msk [tilespmem:v31+s14+$0x0], $0xffff;
	v2 =	vadd.f32 v3, v2;
	v3 =	vmul.f32 v5, v30  }
0x84: {  	v36 =	vor.u32 $0x10, v1;
	v5 =	vld.idx.msk [tilespmem:v31+s15+$0x0], $0xffff  }
0x85: {  	v37 =	vld.idx.msk [tilespmem:v33+s14+$0x0], $0xffff;
	v2 =	vadd.f32 v3, v2;
	v3 =	vmul.f32 v4, v32  }
0x86: {  	v38 =	vor.u32 $0x11, v1;
	v4 =	vld.idx.msk [tilespmem:v33+s15+$0x0], $0xffff  }
0x87: {  	v39 =	vld.idx.msk [tilespmem:v7+s14+$0x0], $0xffff;
	v2 =	vadd.f32 v3, v2;
	v3 =	vmul.f32 v6, v34  }
0x88: {  	v6 =	vld.idx.msk [tilespmem:v7+s15+$0x0], $0xffff;
	v7 =	vor.u32 $0x12, v1  }
0x89: {  	v40 =	vld.idx.msk [tilespmem:v36+s14+$0x0], $0xffff;
	v2 =	vadd.f32 v3, v2;
	v3 =	vmul.f32 v5, v35  }
0x8a: {  	v41 =	vor.u32 $0x13, v1;
	v5 =	vld.idx.msk [tilespmem:v36+s15+$0x0], $0xffff  }
0x8b: {  	v42 =	vld.idx.msk [tilespmem:v38+s14+$0x0], $0xffff;
	v2 =	vadd.f32 v3, v2;
	v3 =	vmul.f32 v4, v37  }
0x8c: {  	v43 =	vor.u32 $0x14, v1;
	v4 =	vld.idx.msk [tilespmem:v38+s15+$0x0], $0xffff  }
0x8d: {  	v44 =	vld.idx.msk [tilespmem:v7+s14+$0x0], $0xffff;
	v2 =	vadd.f32 v3, v2;
	v3 =	vmul.f32 v6, v39  }
0x8e: {  	v6 =	vld.idx.msk [tilespmem:v7+s15+$0x0], $0xffff;
	v7 =	vor.u32 $0x15, v1  }
0x8f: {  	v45 =	vld.idx.msk [tilespmem:v41+s14+$0x0], $0xffff;
	v2 =	vadd.f32 v3, v2;
	v3 =	vmul.f32 v5, v40  }
0x90: {  	v46 =	vor.u32 $0x16, v1;
	v5 =	vld.idx.msk [tilespmem:v41+s15+$0x0], $0xffff  }
0x91: {  	v47 =	vld.idx.msk [tilespmem:v43+s14+$0x0], $0xffff;
	v2 =	vadd.f32 v3, v2;
	v3 =	vmul.f32 v4, v42  }
0x92: {  	v48 =	vor.u32 $0x17, v1;
	v4 =	vld.idx.msk [tilespmem:v43+s15+$0x0], $0xffff  }
0x93: {  	v49 =	vld.idx.msk [tilespmem:v7+s14+$0x0], $0xffff;
	v2 =	vadd.f32 v3, v2;
	v3 =	vmul.f32 v6, v44  }
0x94: {  	v6 =	vld.idx.msk [tilespmem:v7+s15+$0x0], $0xffff;
	v7 =	vor.u32 $0x18, v1  }
0x95: {  	v50 =	vld.idx.msk [tilespmem:v46+s14+$0x0], $0xffff;
	v2 =	vadd.f32 v3, v2;
	v3 =	vmul.f32 v5, v45  }
0x96: {  	v51 =	vor.u32 $0x19, v1;
	v5 =	vld.idx.msk [tilespmem:v46+s15+$0x0], $0xffff  }
0x97: {  	v52 =	vld.idx.msk [tilespmem:v48+s14+$0x0], $0xffff;
	v2 =	vadd.f32 v3, v2;
	v3 =	vmul.f32 v4, v47  }
0x98: {  	v53 =	vor.u32 $0x1A, v1;
	v4 =	vld.idx.msk [tilespmem:v48+s15+$0x0], $0xffff  }
0x99: {  	v54 =	vld.idx.msk [tilespmem:v7+s14+$0x0], $0xffff;
	v2 =	vadd.f32 v3, v2;
	v3 =	vmul.f32 v6, v49  }
0x9a: {  	v6 =	vld.idx.msk [tilespmem:v7+s15+$0x0], $0xffff;
	v7 =	vor.u32 $0x1B, v1  }
0x9b: {  	v55 =	vld.idx.msk [tilespmem:v51+s14+$0x0], $0xffff;
	v2 =	vadd.f32 v3, v2;
	v3 =	vmul.f32 v5, v50  }
0x9c: {  	v56 =	vor.u32 $0x1C, v1;
	v5 =	vld.idx.msk [tilespmem:v51+s15+$0x0], $0xffff  }
0x9d: {  	v57 =	vld.idx.msk [tilespmem:v53+s14+$0x0], $0xffff;
	v2 =	vadd.f32 v3, v2;
	v3 =	vmul.f32 v4, v52  }
0x9e: {  	v58 =	vor.u32 $0x1D, v1;
	v4 =	vld.idx.msk [tilespmem:v53+s15+$0x0], $0xffff  }
0x9f: {  	v59 =	vld.idx.msk [tilespmem:v7+s14+$0x0], $0xffff;
	v2 =	vadd.f32 v3, v2;
	v3 =	vmul.f32 v6, v54  }
0xa0: {  	v6 =	vld.idx.msk [tilespmem:v7+s15+$0x0], $0xffff;
	v7 =	vor.u32 $0x1E, v1  }
0xa1: {  	v60 =	vld.idx.msk [tilespmem:v56+s14+$0x0], $0xffff;
	v2 =	vadd.f32 v3, v2;
	v3 =	vmul.f32 v5, v55  }
0xa2: {  	v1 =	vor.u32 $0x1F, v1;
	v5 =	vld.idx.msk [tilespmem:v56+s15+$0x0], $0xffff  }
0xa3: {  	v61 =	vld.idx.msk [tilespmem:v58+s14+$0x0], $0xffff;
	v2 =	vadd.f32 v3, v2;
	v3 =	vmul.f32 v4, v57  }
0xa4: {  	v4 =	vld.idx.msk [tilespmem:v58+s15+$0x0], $0xffff  }
0xa5: {  	v62 =	vld.idx.msk [tilespmem:v7+s14+$0x0], $0xffff;
	v2 =	vadd.f32 v3, v2;
	v3 =	vmul.f32 v6, v59  }
0xa6: {  	v6 =	vld.idx.msk [tilespmem:v7+s15+$0x0], $0xffff  }
0xa7: {  	v7 =	vld.idx.msk [tilespmem:v1+s14+$0x0], $0xffff;
	v2 =	vadd.f32 v3, v2;
	v3 =	vmul.f32 v5, v60  }
0xa8: {  	v1 =	vld.idx.msk [tilespmem:v1+s15+$0x0], $0xffff  }
0xa9: {  	v2 =	vadd.f32 v3, v2;
	v3 =	vmul.f32 v4, v61;
	_ =	sdelay $0x1  }
0xaa: {  	s24 =	simm.s32 $0x10;
	v2 =	vadd.f32 v3, v2;
	v3 =	vmul.f32 v6, v62  }
0xab: {  	v4 =	vmov s24  }
0xac: {  	v4 =	vshll.u32 v4, $0x5;
	v2 =	vadd.f32 v3, v2;
	v3 =	vmul.f32 v1, v7  }
0xad: {  	v1 =	vor.u32 v0, v4  }
0xae: {  	v2 =	vadd.f32 v3, v2;
	_ =	sdelay $0x1  }
0xaf: {  	s20 =	simm.s32 $0x8610;
	v3 =	vor.u32 $0x1, v1;
	[tilespmem:s18+$0x0] =	vst v2  }
0xb0: {  	v2 =	vld [tilespmem:s20+$0x0]  }
0xb1: {  	v4 =	vor.u32 $0x2, v1;
	v5 =	vld.idx.msk [tilespmem:v1+s14+$0x0], $0xffff  }
0xb2: {  	s22 =	simm.s32 $0x8410;
	v6 =	vld.idx.msk [tilespmem:v1+s15+$0x0], $0xffff  }
0xb3: {  	v7 =	vor.u32 $0x3, v1;
	v63 =	vld [tilespmem:s22+$0x0]  }
0xb4: {  	v16 =	vld.idx.msk [tilespmem:v3+s14+$0x0], $0xffff  }
0xb5: {  	v17 =	vor.u32 $0x4, v1;
	v3 =	vld.idx.msk [tilespmem:v3+s15+$0x0], $0xffff  }
0xb6: {  	v18 =	vld.idx.msk [tilespmem:v4+s14+$0x0], $0xffff  }
0xb7: {  	v19 =	vor.u32 $0x5, v1;
	v4 =	vld.idx.msk [tilespmem:v4+s15+$0x0], $0xffff  }
0xb8: {  	v20 =	vld.idx.msk [tilespmem:v7+s14+$0x0], $0xffff;
	v2 =	vadd.f32 v2, v63;
	v5 =	vmul.f32 v6, v5  }
0xb9: {  	v6 =	vld.idx.msk [tilespmem:v7+s15+$0x0], $0xffff;
	v7 =	vor.u32 $0x6, v1  }
0xba: {  	v21 =	vld.idx.msk [tilespmem:v17+s14+$0x0], $0xffff;
	v2 =	vadd.f32 v5, v2;
	v3 =	vmul.f32 v3, v16  }
0xbb: {  	v22 =	vor.u32 $0x7, v1;
	v5 =	vld.idx.msk [tilespmem:v17+s15+$0x0], $0xffff  }
0xbc: {  	v23 =	vld.idx.msk [tilespmem:v19+s14+$0x0], $0xffff;
	v2 =	vadd.f32 v3, v2;
	v3 =	vmul.f32 v4, v18  }
0xbd: {  	v24 =	vor.u32 $0x8, v1;
	v4 =	vld.idx.msk [tilespmem:v19+s15+$0x0], $0xffff  }
0xbe: {  	v25 =	vld.idx.msk [tilespmem:v7+s14+$0x0], $0xffff;
	v2 =	vadd.f32 v3, v2;
	v3 =	vmul.f32 v6, v20  }
0xbf: {  	v6 =	vld.idx.msk [tilespmem:v7+s15+$0x0], $0xffff;
	v7 =	vor.u32 $0x9, v1  }
0xc0: {  	v26 =	vld.idx.msk [tilespmem:v22+s14+$0x0], $0xffff;
	v2 =	vadd.f32 v3, v2;
	v3 =	vmul.f32 v5, v21  }
0xc1: {  	v27 =	vor.u32 $0xA, v1;
	v5 =	vld.idx.msk [tilespmem:v22+s15+$0x0], $0xffff  }
0xc2: {  	v28 =	vld.idx.msk [tilespmem:v24+s14+$0x0], $0xffff;
	v2 =	vadd.f32 v3, v2;
	v3 =	vmul.f32 v4, v23  }
0xc3: {  	v29 =	vor.u32 $0xB, v1;
	v4 =	vld.idx.msk [tilespmem:v24+s15+$0x0], $0xffff  }
0xc4: {  	v30 =	vld.idx.msk [tilespmem:v7+s14+$0x0], $0xffff;
	v2 =	vadd.f32 v3, v2;
	v3 =	vmul.f32 v6, v25  }
0xc5: {  	v6 =	vld.idx.msk [tilespmem:v7+s15+$0x0], $0xffff;
	v7 =	vor.u32 $0xC, v1  }
0xc6: {  	v31 =	vld.idx.msk [tilespmem:v27+s14+$0x0], $0xffff;
	v2 =	vadd.f32 v3, v2;
	v3 =	vmul.f32 v5, v26  }
0xc7: {  	v32 =	vor.u32 $0xD, v1;
	v5 =	vld.idx.msk [tilespmem:v27+s15+$0x0], $0xffff  }
0xc8: {  	v33 =	vld.idx.msk [tilespmem:v29+s14+$0x0], $0xffff;
	v2 =	vadd.f32 v3, v2;
	v3 =	vmul.f32 v4, v28  }
0xc9: {  	v34 =	vor.u32 $0xE, v1;
	v4 =	vld.idx.msk [tilespmem:v29+s15+$0x0], $0xffff  }
0xca: {  	v35 =	vld.idx.msk [tilespmem:v7+s14+$0x0], $0xffff;
	v2 =	vadd.f32 v3, v2;
	v3 =	vmul.f32 v6, v30  }
0xcb: {  	v6 =	vld.idx.msk [tilespmem:v7+s15+$0x0], $0xffff;
	v7 =	vor.u32 $0xF, v1  }
0xcc: {  	v36 =	vld.idx.msk [tilespmem:v32+s14+$0x0], $0xffff;
	v2 =	vadd.f32 v3, v2;
	v3 =	vmul.f32 v5, v31  }
0xcd: {  	v37 =	vor.u32 $0x10, v1;
	v5 =	vld.idx.msk [tilespmem:v32+s15+$0x0], $0xffff  }
0xce: {  	v38 =	vld.idx.msk [tilespmem:v34+s14+$0x0], $0xffff;
	v2 =	vadd.f32 v3, v2;
	v3 =	vmul.f32 v4, v33  }
0xcf: {  	v39 =	vor.u32 $0x11, v1;
	v4 =	vld.idx.msk [tilespmem:v34+s15+$0x0], $0xffff  }
0xd0: {  	v40 =	vld.idx.msk [tilespmem:v7+s14+$0x0], $0xffff;
	v2 =	vadd.f32 v3, v2;
	v3 =	vmul.f32 v6, v35  }
0xd1: {  	v6 =	vld.idx.msk [tilespmem:v7+s15+$0x0], $0xffff;
	v7 =	vor.u32 $0x12, v1  }
0xd2: {  	v41 =	vld.idx.msk [tilespmem:v37+s14+$0x0], $0xffff;
	v2 =	vadd.f32 v3, v2;
	v3 =	vmul.f32 v5, v36  }
0xd3: {  	v42 =	vor.u32 $0x13, v1;
	v5 =	vld.idx.msk [tilespmem:v37+s15+$0x0], $0xffff  }
0xd4: {  	v43 =	vld.idx.msk [tilespmem:v39+s14+$0x0], $0xffff;
	v2 =	vadd.f32 v3, v2;
	v3 =	vmul.f32 v4, v38  }
0xd5: {  	v44 =	vor.u32 $0x14, v1;
	v4 =	vld.idx.msk [tilespmem:v39+s15+$0x0], $0xffff  }
0xd6: {  	v45 =	vld.idx.msk [tilespmem:v7+s14+$0x0], $0xffff;
	v2 =	vadd.f32 v3, v2;
	v3 =	vmul.f32 v6, v40  }
0xd7: {  	v6 =	vld.idx.msk [tilespmem:v7+s15+$0x0], $0xffff;
	v7 =	vor.u32 $0x15, v1  }
0xd8: {  	v46 =	vld.idx.msk [tilespmem:v42+s14+$0x0], $0xffff;
	v2 =	vadd.f32 v3, v2;
	v3 =	vmul.f32 v5, v41  }
0xd9: {  	v47 =	vor.u32 $0x16, v1;
	v5 =	vld.idx.msk [tilespmem:v42+s15+$0x0], $0xffff  }
0xda: {  	v48 =	vld.idx.msk [tilespmem:v44+s14+$0x0], $0xffff;
	v2 =	vadd.f32 v3, v2;
	v3 =	vmul.f32 v4, v43  }
0xdb: {  	v49 =	vor.u32 $0x17, v1;
	v4 =	vld.idx.msk [tilespmem:v44+s15+$0x0], $0xffff  }
0xdc: {  	v50 =	vld.idx.msk [tilespmem:v7+s14+$0x0], $0xffff;
	v2 =	vadd.f32 v3, v2;
	v3 =	vmul.f32 v6, v45  }
0xdd: {  	v6 =	vld.idx.msk [tilespmem:v7+s15+$0x0], $0xffff;
	v7 =	vor.u32 $0x18, v1  }
0xde: {  	v51 =	vld.idx.msk [tilespmem:v47+s14+$0x0], $0xffff;
	v2 =	vadd.f32 v3, v2;
	v3 =	vmul.f32 v5, v46  }
0xdf: {  	v52 =	vor.u32 $0x19, v1;
	v5 =	vld.idx.msk [tilespmem:v47+s15+$0x0], $0xffff  }
0xe0: {  	v53 =	vld.idx.msk [tilespmem:v49+s14+$0x0], $0xffff;
	v2 =	vadd.f32 v3, v2;
	v3 =	vmul.f32 v4, v48  }
0xe1: {  	v54 =	vor.u32 $0x1A, v1;
	v4 =	vld.idx.msk [tilespmem:v49+s15+$0x0], $0xffff  }
0xe2: {  	v55 =	vld.idx.msk [tilespmem:v7+s14+$0x0], $0xffff;
	v2 =	vadd.f32 v3, v2;
	v3 =	vmul.f32 v6, v50  }
0xe3: {  	v6 =	vld.idx.msk [tilespmem:v7+s15+$0x0], $0xffff;
	v7 =	vor.u32 $0x1B, v1  }
0xe4: {  	v56 =	vld.idx.msk [tilespmem:v52+s14+$0x0], $0xffff;
	v2 =	vadd.f32 v3, v2;
	v3 =	vmul.f32 v5, v51  }
0xe5: {  	v57 =	vor.u32 $0x1C, v1;
	v5 =	vld.idx.msk [tilespmem:v52+s15+$0x0], $0xffff  }
0xe6: {  	v58 =	vld.idx.msk [tilespmem:v54+s14+$0x0], $0xffff;
	v2 =	vadd.f32 v3, v2;
	v3 =	vmul.f32 v4, v53  }
0xe7: {  	v59 =	vor.u32 $0x1D, v1;
	v4 =	vld.idx.msk [tilespmem:v54+s15+$0x0], $0xffff  }
0xe8: {  	v60 =	vld.idx.msk [tilespmem:v7+s14+$0x0], $0xffff;
	v2 =	vadd.f32 v3, v2;
	v3 =	vmul.f32 v6, v55  }
0xe9: {  	v6 =	vld.idx.msk [tilespmem:v7+s15+$0x0], $0xffff;
	v7 =	vor.u32 $0x1E, v1  }
0xea: {  	v61 =	vld.idx.msk [tilespmem:v57+s14+$0x0], $0xffff;
	v2 =	vadd.f32 v3, v2;
	v3 =	vmul.f32 v5, v56  }
0xeb: {  	v1 =	vor.u32 $0x1F, v1;
	v5 =	vld.idx.msk [tilespmem:v57+s15+$0x0], $0xffff  }
0xec: {  	v62 =	vld.idx.msk [tilespmem:v59+s14+$0x0], $0xffff;
	v2 =	vadd.f32 v3, v2;
	v3 =	vmul.f32 v4, v58  }
0xed: {  	v4 =	vld.idx.msk [tilespmem:v59+s15+$0x0], $0xffff  }
0xee: {  	v63 =	vld.idx.msk [tilespmem:v7+s14+$0x0], $0xffff;
	v2 =	vadd.f32 v3, v2;
	v3 =	vmul.f32 v6, v60  }
0xef: {  	v6 =	vld.idx.msk [tilespmem:v7+s15+$0x0], $0xffff  }
0xf0: {  	v7 =	vld.idx.msk [tilespmem:v1+s14+$0x0], $0xffff;
	v2 =	vadd.f32 v3, v2;
	v3 =	vmul.f32 v5, v61  }
0xf1: {  	v5 =	vld.idx.msk [tilespmem:v1+s15+$0x0], $0xffff  }
0xf2: {  	s25 =	simm.s32 $0x20;
	v1 =	vadd.f32 v3, v2;
	v2 =	vmul.f32 v4, v62  }
0xf3: {  	v3 =	vmov s25  }
0xf4: {  	v3 =	vshll.u32 v3, $0x5;
	v6 =	vmul.f32 v6, v63;
	v4 =	vadd.f32 v2, v1  }
0xf5: {  	v1 =	vor.u32 v0, v3  }
0xf6: {  	v2 =	vor.u32 $0x1, v1;
	v3 =	vadd.f32 v6, v4;
	v4 =	vmul.f32 v5, v7  }
0xf7: {  	s24 =	simm.s32 $0x8800;
	s25 =	simm.s32 $0x30  }
.LBB2_2:
0xf8: {  	p0 =	sne.s32 s25, $0x1F0;
	v3 =	vadd.f32 v4, v3  }
0xf9: {  	s24 =	sadd.s32 $0x10, s24  }
0xfa: {  	[tilespmem:s24+$0x0] =	vst v3  }
0xfb: {  	s20 =	sadd.s32 $0x10, s20;
	v3 =	vld.idx.msk [tilespmem:v2+s14+$0x0], $0xffff  }
0xfc: {  	v5 =	vor.u32 $0x2, v1;
	v4 =	vld [tilespmem:s20+$0x0]  }
0xfd: {  	v6 =	vld.idx.msk [tilespmem:v1+s14+$0x0], $0xffff  }
0xfe: {  	v8 =	vor.u32 $0x3, v1;
	s22 =	sadd.s32 $0x10, s22;
	v7 =	vld.idx.msk [tilespmem:v1+s15+$0x0], $0xffff  }
0xff: {  	v9 =	vld [tilespmem:s22+$0x0]  }
0x100: {  	v10 =	vor.u32 $0x4, v1;
	v2 =	vld.idx.msk [tilespmem:v2+s15+$0x0], $0xffff  }
0x101: {  	v11 =	vld.idx.msk [tilespmem:v5+s14+$0x0], $0xffff  }
0x102: {  	v12 =	vor.u32 $0x5, v1;
	v5 =	vld.idx.msk [tilespmem:v5+s15+$0x0], $0xffff  }
0x103: {  	v13 =	vld.idx.msk [tilespmem:v8+s14+$0x0], $0xffff  }
0x104: {  	v6 =	vmul.f32 v7, v6;
	v4 =	vadd.f32 v4, v9;
	v7 =	vld.idx.msk [tilespmem:v8+s15+$0x0], $0xffff;
	v8 =	vor.u32 $0x6, v1  }
0x105: {  	v9 =	vld.idx.msk [tilespmem:v10+s14+$0x0], $0xffff  }
0x106: {  	v2 =	vmul.f32 v2, v3;
	v4 =	vadd.f32 v6, v4;
	v3 =	vld.idx.msk [tilespmem:v10+s15+$0x0], $0xffff;
	v6 =	vor.u32 $0x7, v1  }
0x107: {  	v10 =	vld.idx.msk [tilespmem:v12+s14+$0x0], $0xffff  }
0x108: {  	v2 =	vadd.f32 v2, v4;
	v4 =	vmul.f32 v5, v11;
	v5 =	vld.idx.msk [tilespmem:v12+s15+$0x0], $0xffff;
	v11 =	vor.u32 $0x8, v1  }
0x109: {  	v12 =	vld.idx.msk [tilespmem:v8+s14+$0x0], $0xffff  }
0x10a: {  	v2 =	vadd.f32 v4, v2;
	v4 =	vmul.f32 v7, v13;
	v7 =	vld.idx.msk [tilespmem:v8+s15+$0x0], $0xffff;
	v8 =	vor.u32 $0x9, v1  }
0x10b: {  	v13 =	vld.idx.msk [tilespmem:v6+s14+$0x0], $0xffff  }
0x10c: {  	v3 =	vmul.f32 v3, v9;
	v2 =	vadd.f32 v4, v2;
	v4 =	vld.idx.msk [tilespmem:v6+s15+$0x0], $0xffff;
	v6 =	vor.u32 $0xA, v1  }
0x10d: {  	v9 =	vld.idx.msk [tilespmem:v11+s14+$0x0], $0xffff  }
0x10e: {  	v2 =	vadd.f32 v3, v2;
	v3 =	vmul.f32 v5, v10;
	v5 =	vld.idx.msk [tilespmem:v11+s15+$0x0], $0xffff;
	v10 =	vor.u32 $0xB, v1  }
0x10f: {  	v11 =	vld.idx.msk [tilespmem:v8+s14+$0x0], $0xffff  }
0x110: {  	v2 =	vadd.f32 v3, v2;
	v3 =	vmul.f32 v7, v12;
	v7 =	vld.idx.msk [tilespmem:v8+s15+$0x0], $0xffff;
	v8 =	vor.u32 $0xC, v1  }
0x111: {  	v12 =	vld.idx.msk [tilespmem:v6+s14+$0x0], $0xffff  }
0x112: {  	v2 =	vadd.f32 v3, v2;
	v3 =	vmul.f32 v4, v13;
	v4 =	vld.idx.msk [tilespmem:v6+s15+$0x0], $0xffff;
	v6 =	vor.u32 $0xD, v1  }
0x113: {  	v13 =	vld.idx.msk [tilespmem:v10+s14+$0x0], $0xffff  }
0x114: {  	v2 =	vadd.f32 v3, v2;
	v3 =	vmul.f32 v5, v9;
	v5 =	vld.idx.msk [tilespmem:v10+s15+$0x0], $0xffff;
	v9 =	vor.u32 $0xE, v1  }
0x115: {  	v10 =	vld.idx.msk [tilespmem:v8+s14+$0x0], $0xffff  }
0x116: {  	v2 =	vadd.f32 v3, v2;
	v3 =	vmul.f32 v7, v11;
	v7 =	vld.idx.msk [tilespmem:v8+s15+$0x0], $0xffff;
	v8 =	vor.u32 $0xF, v1  }
0x117: {  	v11 =	vld.idx.msk [tilespmem:v6+s14+$0x0], $0xffff  }
0x118: {  	v2 =	vadd.f32 v3, v2;
	v3 =	vmul.f32 v4, v12;
	v4 =	vld.idx.msk [tilespmem:v6+s15+$0x0], $0xffff;
	v6 =	vor.u32 $0x10, v1  }
0x119: {  	v12 =	vld.idx.msk [tilespmem:v9+s14+$0x0], $0xffff  }
0x11a: {  	v2 =	vadd.f32 v3, v2;
	v3 =	vmul.f32 v5, v13;
	v5 =	vld.idx.msk [tilespmem:v9+s15+$0x0], $0xffff;
	v9 =	vor.u32 $0x11, v1  }
0x11b: {  	v13 =	vld.idx.msk [tilespmem:v8+s14+$0x0], $0xffff  }
0x11c: {  	v2 =	vadd.f32 v3, v2;
	v3 =	vmul.f32 v7, v10;
	v7 =	vld.idx.msk [tilespmem:v8+s15+$0x0], $0xffff;
	v8 =	vor.u32 $0x12, v1  }
0x11d: {  	v10 =	vld.idx.msk [tilespmem:v6+s14+$0x0], $0xffff  }
0x11e: {  	v2 =	vadd.f32 v3, v2;
	v3 =	vmul.f32 v4, v11;
	v4 =	vld.idx.msk [tilespmem:v6+s15+$0x0], $0xffff;
	v6 =	vor.u32 $0x13, v1  }
0x11f: {  	v11 =	vld.idx.msk [tilespmem:v9+s14+$0x0], $0xffff  }
0x120: {  	v2 =	vadd.f32 v3, v2;
	v3 =	vmul.f32 v5, v12;
	v5 =	vld.idx.msk [tilespmem:v9+s15+$0x0], $0xffff;
	v9 =	vor.u32 $0x14, v1  }
0x121: {  	v12 =	vld.idx.msk [tilespmem:v8+s14+$0x0], $0xffff  }
0x122: {  	v2 =	vadd.f32 v3, v2;
	v3 =	vmul.f32 v7, v13;
	v7 =	vld.idx.msk [tilespmem:v8+s15+$0x0], $0xffff;
	v8 =	vor.u32 $0x15, v1  }
0x123: {  	v13 =	vld.idx.msk [tilespmem:v6+s14+$0x0], $0xffff  }
0x124: {  	v2 =	vadd.f32 v3, v2;
	v3 =	vmul.f32 v4, v10;
	v4 =	vld.idx.msk [tilespmem:v6+s15+$0x0], $0xffff;
	v6 =	vor.u32 $0x16, v1  }
0x125: {  	v10 =	vld.idx.msk [tilespmem:v9+s14+$0x0], $0xffff  }
0x126: {  	v2 =	vadd.f32 v3, v2;
	v3 =	vmul.f32 v5, v11;
	v5 =	vld.idx.msk [tilespmem:v9+s15+$0x0], $0xffff;
	v9 =	vor.u32 $0x17, v1  }
0x127: {  	v11 =	vld.idx.msk [tilespmem:v8+s14+$0x0], $0xffff  }
0x128: {  	v2 =	vadd.f32 v3, v2;
	v3 =	vmul.f32 v7, v12;
	v7 =	vld.idx.msk [tilespmem:v8+s15+$0x0], $0xffff;
	v8 =	vor.u32 $0x18, v1  }
0x129: {  	v12 =	vld.idx.msk [tilespmem:v6+s14+$0x0], $0xffff  }
0x12a: {  	v2 =	vadd.f32 v3, v2;
	v3 =	vmul.f32 v4, v13;
	v4 =	vld.idx.msk [tilespmem:v6+s15+$0x0], $0xffff;
	v6 =	vor.u32 $0x19, v1  }
0x12b: {  	v13 =	vld.idx.msk [tilespmem:v9+s14+$0x0], $0xffff  }
0x12c: {  	v2 =	vadd.f32 v3, v2;
	v3 =	vmul.f32 v5, v10;
	v5 =	vld.idx.msk [tilespmem:v9+s15+$0x0], $0xffff;
	v9 =	vor.u32 $0x1A, v1  }
0x12d: {  	v10 =	vld.idx.msk [tilespmem:v8+s14+$0x0], $0xffff  }
0x12e: {  	v2 =	vadd.f32 v3, v2;
	v3 =	vmul.f32 v7, v11;
	v7 =	vld.idx.msk [tilespmem:v8+s15+$0x0], $0xffff;
	v8 =	vor.u32 $0x1B, v1  }
0x12f: {  	v11 =	vld.idx.msk [tilespmem:v6+s14+$0x0], $0xffff  }
0x130: {  	v2 =	vadd.f32 v3, v2;
	v3 =	vmul.f32 v4, v12;
	v4 =	vld.idx.msk [tilespmem:v6+s15+$0x0], $0xffff;
	v6 =	vor.u32 $0x1C, v1  }
0x131: {  	v12 =	vld.idx.msk [tilespmem:v9+s14+$0x0], $0xffff  }
0x132: {  	v2 =	vadd.f32 v3, v2;
	v3 =	vmul.f32 v5, v13;
	v5 =	vld.idx.msk [tilespmem:v9+s15+$0x0], $0xffff;
	v9 =	vor.u32 $0x1D, v1  }
0x133: {  	v13 =	vld.idx.msk [tilespmem:v8+s14+$0x0], $0xffff  }
0x134: {  	v2 =	vadd.f32 v3, v2;
	v3 =	vmul.f32 v7, v10;
	v7 =	vld.idx.msk [tilespmem:v8+s15+$0x0], $0xffff;
	v8 =	vor.u32 $0x1E, v1  }
0x135: {  	v10 =	vld.idx.msk [tilespmem:v6+s14+$0x0], $0xffff  }
0x136: {  	v1 =	vor.u32 $0x1F, v1;
	v2 =	vadd.f32 v3, v2;
	v3 =	vmul.f32 v4, v11;
	v4 =	vld.idx.msk [tilespmem:v6+s15+$0x0], $0xffff  }
0x137: {  	v6 =	vld.idx.msk [tilespmem:v9+s14+$0x0], $0xffff  }
0x138: {  	v2 =	vadd.f32 v3, v2;
	v3 =	vmul.f32 v5, v12;
	v5 =	vld.idx.msk [tilespmem:v9+s15+$0x0], $0xffff  }
0x139: {  	v9 =	vld.idx.msk [tilespmem:v8+s14+$0x0], $0xffff  }
0x13a: {  	v2 =	vadd.f32 v3, v2;
	v3 =	vmul.f32 v7, v13;
	v7 =	vld.idx.msk [tilespmem:v8+s15+$0x0], $0xffff  }
0x13b: {  	v8 =	vld.idx.msk [tilespmem:v1+s14+$0x0], $0xffff  }
0x13c: {  	v2 =	vadd.f32 v3, v2;
	v3 =	vmul.f32 v4, v10;
	v4 =	vld.idx.msk [tilespmem:v1+s15+$0x0], $0xffff;
	_ =	sdelay $0x1  }
0x13d: {  	v1 =	vadd.f32 v3, v2;
	v2 =	vmul.f32 v5, v6  }
.Ltmp0:
0x13e: {  	v3 =	vmov s25;
	(pc) =	sbr.rel @p0 .LBB2_2-.Ltmp0, $4  }
0x13f: {  	v3 =	vshll.u32 v3, $0x5;
	v6 =	vmul.f32 v7, v9;
	v5 =	vadd.f32 v2, v1  }
0x140: {  	v1 =	vor.u32 v0, v3  }
0x141: {  	v2 =	vor.u32 $0x1, v1;
	v4 =	vmul.f32 v4, v8;
	v3 =	vadd.f32 v6, v5  }
0x142: {  	s25 =	sadd.s32 $0x10, s25  }
0x143: {  	v3 =	vadd.f32 v4, v3  }
0x144: {  	s24 =	sadd.s32 $0x10, s24  }
0x145: {  	s20 =	sadd.s32 $0x10, s20;
	[tilespmem:s24+$0x0] =	vst v3  }
0x146: {  	v3 =	vld [tilespmem:s20+$0x0]  }
0x147: {  	v30 =	vor.u32 $0x2, v1;
	v5 =	vld.idx.msk [tilespmem:v1+s14+$0x0], $0xffff  }
0x148: {  	s22 =	sadd.s32 $0x10, s22;
	v6 =	vld.idx.msk [tilespmem:v1+s15+$0x0], $0xffff  }
0x149: {  	v7 =	vor.u32 $0x3, v1;
	v8 =	vld [tilespmem:s22+$0x0]  }
0x14a: {  	v9 =	vld.idx.msk [tilespmem:v2+s14+$0x0], $0xffff  }
0x14b: {  	v10 =	vor.u32 $0x4, v1;
	v2 =	vld.idx.msk [tilespmem:v2+s15+$0x0], $0xffff  }
0x14c: {  	v11 =	vld.idx.msk [tilespmem:v30+s14+$0x0], $0xffff  }
0x14d: {  	v12 =	vor.u32 $0x5, v1;
	v4 =	vld.idx.msk [tilespmem:v30+s15+$0x0], $0xffff  }
0x14e: {  	v13 =	vld.idx.msk [tilespmem:v7+s14+$0x0], $0xffff;
	v3 =	vadd.f32 v3, v8;
	v5 =	vmul.f32 v6, v5  }
0x14f: {  	v32 =	vor.u32 $0x6, v1;
	v31 =	vld.idx.msk [tilespmem:v7+s15+$0x0], $0xffff  }
0x150: {  	v33 =	vld.idx.msk [tilespmem:v10+s14+$0x0], $0xffff;
	v2 =	vmul.f32 v2, v9;
	v3 =	vadd.f32 v5, v3  }
0x151: {  	v35 =	vor.u32 $0x7, v1;
	v34 =	vld.idx.msk [tilespmem:v10+s15+$0x0], $0xffff  }
0x152: {  	v36 =	vld.idx.msk [tilespmem:v12+s14+$0x0], $0xffff;
	v2 =	vadd.f32 v2, v3;
	v3 =	vmul.f32 v4, v11  }
0x153: {  	v38 =	vor.u32 $0x8, v1;
	v37 =	vld.idx.msk [tilespmem:v12+s15+$0x0], $0xffff  }
0x154: {  	v39 =	vld.idx.msk [tilespmem:v32+s14+$0x0], $0xffff;
	v2 =	vadd.f32 v3, v2;
	v3 =	vmul.f32 v31, v13  }
0x155: {  	v41 =	vor.u32 $0x9, v1;
	v40 =	vld.idx.msk [tilespmem:v32+s15+$0x0], $0xffff  }
0x156: {  	v42 =	vld.idx.msk [tilespmem:v35+s14+$0x0], $0xffff;
	v2 =	vadd.f32 v3, v2;
	v3 =	vmul.f32 v34, v33  }
0x157: {  	v44 =	vor.u32 $0xA, v1;
	v43 =	vld.idx.msk [tilespmem:v35+s15+$0x0], $0xffff  }
0x158: {  	v45 =	vld.idx.msk [tilespmem:v38+s14+$0x0], $0xffff;
	v2 =	vadd.f32 v3, v2;
	v3 =	vmul.f32 v37, v36  }
0x159: {  	v47 =	vor.u32 $0xB, v1;
	v46 =	vld.idx.msk [tilespmem:v38+s15+$0x0], $0xffff  }
0x15a: {  	v48 =	vld.idx.msk [tilespmem:v41+s14+$0x0], $0xffff;
	v2 =	vadd.f32 v3, v2;
	v3 =	vmul.f32 v40, v39  }
0x15b: {  	v50 =	vor.u32 $0xC, v1;
	v49 =	vld.idx.msk [tilespmem:v41+s15+$0x0], $0xffff  }
0x15c: {  	v51 =	vld.idx.msk [tilespmem:v44+s14+$0x0], $0xffff;
	v2 =	vadd.f32 v3, v2;
	v3 =	vmul.f32 v43, v42  }
0x15d: {  	v53 =	vor.u32 $0xD, v1;
	v52 =	vld.idx.msk [tilespmem:v44+s15+$0x0], $0xffff  }
0x15e: {  	v54 =	vld.idx.msk [tilespmem:v47+s14+$0x0], $0xffff;
	v2 =	vadd.f32 v3, v2;
	v3 =	vmul.f32 v46, v45  }
0x15f: {  	v56 =	vor.u32 $0xE, v1;
	v55 =	vld.idx.msk [tilespmem:v47+s15+$0x0], $0xffff  }
0x160: {  	v57 =	vld.idx.msk [tilespmem:v50+s14+$0x0], $0xffff;
	v2 =	vadd.f32 v3, v2;
	v3 =	vmul.f32 v49, v48  }
0x161: {  	v59 =	vor.u32 $0xF, v1;
	v58 =	vld.idx.msk [tilespmem:v50+s15+$0x0], $0xffff  }
0x162: {  	v60 =	vld.idx.msk [tilespmem:v53+s14+$0x0], $0xffff;
	v2 =	vadd.f32 v3, v2;
	v3 =	vmul.f32 v52, v51  }
0x163: {  	v62 =	vor.u32 $0x10, v1;
	v61 =	vld.idx.msk [tilespmem:v53+s15+$0x0], $0xffff  }
0x164: {  	v63 =	vld.idx.msk [tilespmem:v56+s14+$0x0], $0xffff;
	v2 =	vadd.f32 v3, v2;
	v3 =	vmul.f32 v55, v54  }
0x165: {  	v17 =	vor.u32 $0x11, v1;
	v16 =	vld.idx.msk [tilespmem:v56+s15+$0x0], $0xffff  }
0x166: {  	v18 =	vld.idx.msk [tilespmem:v59+s14+$0x0], $0xffff;
	v2 =	vadd.f32 v3, v2;
	v3 =	vmul.f32 v58, v57  }
0x167: {  	v20 =	vor.u32 $0x12, v1;
	v19 =	vld.idx.msk [tilespmem:v59+s15+$0x0], $0xffff  }
0x168: {  	v21 =	vld.idx.msk [tilespmem:v62+s14+$0x0], $0xffff;
	v2 =	vadd.f32 v3, v2;
	v3 =	vmul.f32 v61, v60  }
0x169: {  	v23 =	vor.u32 $0x13, v1;
	v22 =	vld.idx.msk [tilespmem:v62+s15+$0x0], $0xffff  }
0x16a: {  	v24 =	vld.idx.msk [tilespmem:v17+s14+$0x0], $0xffff;
	v2 =	vadd.f32 v3, v2;
	v3 =	vmul.f32 v16, v63  }
0x16b: {  	v26 =	vor.u32 $0x14, v1;
	v25 =	vld.idx.msk [tilespmem:v17+s15+$0x0], $0xffff  }
0x16c: {  	v27 =	vld.idx.msk [tilespmem:v20+s14+$0x0], $0xffff;
	v2 =	vadd.f32 v3, v2;
	v3 =	vmul.f32 v19, v18  }
0x16d: {  	v29 =	vor.u32 $0x15, v1;
	v28 =	vld.idx.msk [tilespmem:v20+s15+$0x0], $0xffff  }
0x16e: {  	v30 =	vld.idx.msk [tilespmem:v23+s14+$0x0], $0xffff;
	v2 =	vadd.f32 v3, v2;
	v3 =	vmul.f32 v22, v21  }
0x16f: {  	v32 =	vor.u32 $0x16, v1;
	v31 =	vld.idx.msk [tilespmem:v23+s15+$0x0], $0xffff  }
0x170: {  	v33 =	vld.idx.msk [tilespmem:v26+s14+$0x0], $0xffff;
	v2 =	vadd.f32 v3, v2;
	v3 =	vmul.f32 v25, v24  }
0x171: {  	v35 =	vor.u32 $0x17, v1;
	v34 =	vld.idx.msk [tilespmem:v26+s15+$0x0], $0xffff  }
0x172: {  	v36 =	vld.idx.msk [tilespmem:v29+s14+$0x0], $0xffff;
	v2 =	vadd.f32 v3, v2;
	v3 =	vmul.f32 v28, v27  }
0x173: {  	v38 =	vor.u32 $0x18, v1;
	v37 =	vld.idx.msk [tilespmem:v29+s15+$0x0], $0xffff  }
0x174: {  	v39 =	vld.idx.msk [tilespmem:v32+s14+$0x0], $0xffff;
	v2 =	vadd.f32 v3, v2;
	v3 =	vmul.f32 v31, v30  }
0x175: {  	v41 =	vor.u32 $0x19, v1;
	v40 =	vld.idx.msk [tilespmem:v32+s15+$0x0], $0xffff  }
0x176: {  	v42 =	vld.idx.msk [tilespmem:v35+s14+$0x0], $0xffff;
	v2 =	vadd.f32 v3, v2;
	v3 =	vmul.f32 v34, v33  }
0x177: {  	v44 =	vor.u32 $0x1A, v1;
	v43 =	vld.idx.msk [tilespmem:v35+s15+$0x0], $0xffff  }
0x178: {  	v45 =	vld.idx.msk [tilespmem:v38+s14+$0x0], $0xffff;
	v2 =	vadd.f32 v3, v2;
	v3 =	vmul.f32 v37, v36  }
0x179: {  	v47 =	vor.u32 $0x1B, v1;
	v46 =	vld.idx.msk [tilespmem:v38+s15+$0x0], $0xffff  }
0x17a: {  	v48 =	vld.idx.msk [tilespmem:v41+s14+$0x0], $0xffff;
	v2 =	vadd.f32 v3, v2;
	v3 =	vmul.f32 v40, v39  }
0x17b: {  	v50 =	vor.u32 $0x1C, v1;
	v49 =	vld.idx.msk [tilespmem:v41+s15+$0x0], $0xffff  }
0x17c: {  	v51 =	vld.idx.msk [tilespmem:v44+s14+$0x0], $0xffff;
	v2 =	vadd.f32 v3, v2;
	v3 =	vmul.f32 v43, v42  }
0x17d: {  	v53 =	vor.u32 $0x1D, v1;
	v52 =	vld.idx.msk [tilespmem:v44+s15+$0x0], $0xffff  }
0x17e: {  	v54 =	vld.idx.msk [tilespmem:v47+s14+$0x0], $0xffff;
	v2 =	vadd.f32 v3, v2;
	v3 =	vmul.f32 v46, v45  }
0x17f: {  	v56 =	vor.u32 $0x1E, v1;
	v55 =	vld.idx.msk [tilespmem:v47+s15+$0x0], $0xffff  }
0x180: {  	v57 =	vld.idx.msk [tilespmem:v50+s14+$0x0], $0xffff;
	v2 =	vadd.f32 v3, v2;
	v3 =	vmul.f32 v49, v48  }
0x181: {  	v1 =	vor.u32 $0x1F, v1;
	v58 =	vld.idx.msk [tilespmem:v50+s15+$0x0], $0xffff  }
0x182: {  	v59 =	vld.idx.msk [tilespmem:v53+s14+$0x0], $0xffff;
	v2 =	vadd.f32 v3, v2;
	v3 =	vmul.f32 v52, v51  }
0x183: {  	v60 =	vld.idx.msk [tilespmem:v53+s15+$0x0], $0xffff  }
0x184: {  	v62 =	vld.idx.msk [tilespmem:v56+s15+$0x0], $0xffff;
	v2 =	vadd.f32 v3, v2;
	v3 =	vmul.f32 v55, v54  }
0x185: {  	v61 =	vld.idx.msk [tilespmem:v56+s14+$0x0], $0xffff  }
0x186: {  	v63 =	vld.idx.msk [tilespmem:v1+s14+$0x0], $0xffff;
	v2 =	vadd.f32 v3, v2;
	v3 =	vmul.f32 v58, v57  }
0x187: {  	v1 =	vld.idx.msk [tilespmem:v1+s15+$0x0], $0xffff  }
0x188: {  	v2 =	vadd.f32 v3, v2;
	v3 =	vmul.f32 v60, v59;
	_ =	sdelay $0x1  }
0x189: {  	v2 =	vadd.f32 v3, v2;
	v3 =	vmul.f32 v62, v61;
	_ =	sdelay $0x1  }
0x18a: {  	v1 =	vmul.f32 v1, v63;
	v2 =	vadd.f32 v3, v2;
	_ =	sdelay $0x1  }
0x18b: {  	s19 =	sadd.s32 $0x1, s19;
	v1 =	vadd.f32 v1, v2  }
0x18c: {  	s25 =	sadd.s32 $0x10, s24;
	p0 =	sne.s32 s19, s10  }
.Ltmp1:
0x18d: {  	[tilespmem:s25+$0x0] =	vst v1;
	(pc) =	sbr.rel @p0 .LBB2_1-.Ltmp1, $4  }
0x18e: {  	[hbm4b:s9+s2] =	stream.linear.scatter [tilespmem:s18], [sflag:$0x2], $0x200, $0x38;
	[tilespmem:$0x8A00] =	vst v63  }
0x18f: {  	_ =	swait.ge [sflag:s11], $0x200  }
0x190: {  	[sflag:s11] =	ssyncset.done $0x0  }
0x191: {  	[sflag:s11] =	ssyncadd.s32 $0xFFFFFE00  }
0x192: {  	_ =	sfence.sel $0x180000  }
0x193: {  	[bflag:$0x0] =	sbarrier.arrive $0xFFFF  }
0x194: {  	_ =	strace $0x90000047  }
0x195: {  	s0 =	stileid.u32;
	[bflag:$0x2] =	sbarrier.arrive $0xFFFF  }
0x196: {  	p0 =	sne.s32 s0, $0x0;
	s0 =	rddreg [dreg:$0x2]  }
0x197: {  	s0 =	sadd.s32 @!p0 $0x100000, s0  }
0x198: {  	[sflag:s0] =	ssyncadd.tile.s32 @!p0 $0x1;
	_ =	shalt  }
.Lfunc_end2:
_tile_overlayer_lowered:
.L_overlay_start_2:
0x199: {  	(tag) =	ssettag $0x2  }
0x19a: {  	s0 =	rddreg [dreg:$0x0];
	s2 =	stileid.u32  }
0x19b: {  	s1 =	rddreg [dreg:$0x1];
	p0 =	sne.s32 s2, $0x0  }
0x19c: {  	s3 =	rddreg [dreg:$0x2];
	[bflag:$0x3] =	sbarrier.arrive $0xFFFF;
	s2 =	simm.s32 @!p0 $0x1C02  }
0x19d: {  	[timem:s3], [sflag:s2] =	dma.local @!p0 [hbm:s0], s1  }
0x19e: {  	s0 =	simm.s32 @!p0 $0x2  }
0x19f: {  	_ =	swait.ge @!p0 [sflag:s0], s1  }
0x1a0: {  	s1 =	ssub.s32 @!p0 $0x0, s1;
	[sflag:s0] =	ssyncset.done @!p0 $0x0  }
0x1a1: {  	[sflag:s0] =	ssyncadd.s32 @!p0 s1  }
0x1a2: {  	[bflag:$0x3] =	sbarrier.arrive $0xFFFF  }
0x1a3: {  	_ =	shalt  }

</sc_bundles>
